<compile_context>
chip_gen: v7x
topology: tpu7x:2x2x1
jax: 0.10.2.dev20260603
libtpu: 0.0.44.dev20260713+nightly
codegen_flags: <defaults>
</compile_context>

<pallas_src>
import functools

import jax
import jax.numpy as jnp
from jax import lax
from jax.experimental import pallas as pl
from jax.experimental.pallas import tpu as pltpu
from jax.experimental.pallas import tpu_sc as plsc

N, E, D, H = 10000, 320000, 128, 128

NC, NS = 2, 16
NW = NC * NS
E2 = 2 * E
PER_W = E2 // NW
CHUNK = 48
NBUF = 2
ITERS = 210
PER_W_PAD = ITERS * CHUNK
GROUPS = ITERS // NBUF
TRASH = 128
R_MAIN = 632
R_LAST = N - (NS - 1) * R_MAIN


def _sc_aggregate():
    mesh = plsc.VectorSubcoreMesh(
        core_axis_name="c", subcore_axis_name="s", num_cores=NC, num_subcores=NS
    )

    @functools.partial(
        pl.kernel,
        out_type=jax.ShapeDtypeStruct((NC, N, D), jnp.float32),
        mesh=mesh,
        scratch_types=(
            [pltpu.VMEM((PER_W_PAD,), jnp.int32)]
            + [pltpu.VMEM((CHUNK, D), jnp.float32) for _ in range(NBUF)]
            + [pltpu.VMEM((CHUNK,), jnp.int32) for _ in range(NBUF)]
            + [pltpu.VMEM((CHUNK,), jnp.int32) for _ in range(NBUF)]
            + [pltpu.SemaphoreType.DMA for _ in range(NBUF)]
            + [pltpu.VMEM_SHARED((N + TRASH, D), jnp.float32)]
            + [pltpu.VMEM_SHARED((2048, D), jnp.float32)]
        ),
    )
    def sc_agg(x_hbm, x64_hbm, pk_hbm, out_hbm, pk_v, *rest):
        rows = rest[:NBUF]
        sidx = rest[NBUF:2 * NBUF]
        didx = rest[2 * NBUF:3 * NBUF]
        gsem = rest[3 * NBUF:4 * NBUF]
        acc = rest[4 * NBUF]
        xs = rest[4 * NBUF + 1]
        c = lax.axis_index("c")
        s = lax.axis_index("s")
        wid = c * NS + s

        def unpack(j, b):
            for k in range(CHUNK // 16):
                v = pk_v[pl.ds(j * CHUNK + 16 * k, 16)]
                sidx[b][pl.ds(16 * k, 16)] = v & jnp.int32(0x07FF)
                didx[b][pl.ds(16 * k, 16)] = lax.shift_right_logical(
                    v, jnp.int32(16)
                )

        @pl.when(s < NS - 1)
        def _():
            r0 = pl.multiple_of(s * R_MAIN, 8)
            pltpu.sync_copy(x_hbm.at[pl.ds(r0, R_MAIN)], acc.at[pl.ds(r0, R_MAIN)])

        @pl.when(s == NS - 1)
        def _():
            r0 = (NS - 1) * R_MAIN
            pltpu.sync_copy(x_hbm.at[pl.ds(r0, R_LAST)], acc.at[pl.ds(r0, R_LAST)])

        pltpu.sync_copy(pk_hbm.at[wid], pk_v)
        pltpu.sync_copy(
            x_hbm.at[pl.ds(pl.multiple_of(s * 128, 8), 128)],
            xs.at[pl.ds(pl.multiple_of(s * 128, 8), 128)],
        )
        plsc.subcore_barrier()

        for b in range(NBUF):
            unpack(b, b)
            pltpu.async_copy(xs.at[sidx[b]], rows[b], gsem[b])

        def group(o, carry):
            for b in range(NBUF):
                j = o * NBUF + b
                pltpu.make_async_copy(xs.at[sidx[b]], rows[b], gsem[b]).wait()

                @pl.when(j + NBUF < ITERS)
                def _():
                    unpack(j + NBUF, b)
                    pltpu.async_copy(xs.at[sidx[b]], rows[b], gsem[b])

            return carry

        lax.fori_loop(0, GROUPS, group, 0)
        plsc.subcore_barrier()

        @pl.when(s < NS - 1)
        def _():
            r0 = pl.multiple_of(s * R_MAIN, 8)
            pltpu.sync_copy(
                acc.at[pl.ds(r0, R_MAIN)], out_hbm.at[c, pl.ds(r0, R_MAIN)]
            )

        @pl.when(s == NS - 1)
        def _():
            r0 = (NS - 1) * R_MAIN
            pltpu.sync_copy(
                acc.at[pl.ds(r0, R_LAST)], out_hbm.at[c, pl.ds(r0, R_LAST)]
            )

    return sc_agg


_ROW_BLK = 1000


def _mlp_body(a0_ref, a1_ref, x_ref, wh_ref, bh_ref, wo_ref, bo_ref, o_ref):
    xa = a0_ref[...] + a1_ref[...] - x_ref[...]
    h = (
        jnp.dot(xa, wh_ref[...], preferred_element_type=jnp.float32,
                precision=lax.Precision.HIGHEST)
        + bh_ref[...]
    )
    o = (
        jnp.dot(h, wo_ref[...], preferred_element_type=jnp.float32,
                precision=lax.Precision.HIGHEST)
        + bo_ref[...]
    )
    o_ref[...] = jnp.maximum(o, 0.0)


def _tc_mlp(a0, a1, x, wh, bh, wo, bo):
    grid = (N // _ROW_BLK,)
    row_spec = pl.BlockSpec((_ROW_BLK, D), lambda i: (i, 0))
    full_w = pl.BlockSpec((D, H), lambda i: (0, 0))
    full_b = pl.BlockSpec((1, H), lambda i: (0, 0))
    return pl.pallas_call(
        _mlp_body,
        grid=grid,
        in_specs=[row_spec, row_spec, row_spec, full_w, full_b, full_w, full_b],
        out_specs=pl.BlockSpec((_ROW_BLK, H), lambda i: (i, 0)),
        out_shape=jax.ShapeDtypeStruct((N, H), jnp.float32),
    )(a0, a1, x, wh, bh, wo, bo)


@jax.jit
def kernel(X, ref_a, ref_b, W_hidden, b_hidden, W_out, b_out):
    src = jnp.concatenate([ref_a, ref_b])
    dst = jnp.concatenate([ref_b, ref_a])
    pk = (src | (dst << 16)).reshape(NW, PER_W)
    if PER_W_PAD >= PER_W:
        i = jnp.arange(PER_W_PAD - PER_W, dtype=jnp.int32)
        pad_row = ((i * 63) % N) | ((N + (i % TRASH)) << 16)
        pad = jnp.broadcast_to(pad_row, (NW, PER_W_PAD - PER_W))
        pk = jnp.concatenate([pk, pad], axis=1)
    else:
        pk = pk[:, :PER_W_PAD]
    accs = _sc_aggregate()(X, X, pk)
    return _tc_mlp(
        accs[0], accs[1], X,
        W_hidden, b_hidden.reshape(1, H), W_out, b_out.reshape(1, H),
    )

# --- scband reference (transcript-rebuilt; emitter-appended) ---
"""Pipeline reference for scband-ginlayer-39771397161473 (READ-ONLY COPY).

The authoritative reference and input builder live on the scoring server;
editing this copy changes nothing except your own understanding.
"""

import jax, jax.numpy as jnp
import numpy as np

N, E, D, H = 10000, 320000, 128, 128

def _glorot(key, shape):
    fan_in, fan_out = shape[0], shape[1]
    limit = np.sqrt(6.0 / (fan_in + fan_out))
    return jax.random.uniform(key, shape, dtype=jnp.float32, minval=-limit, maxval=limit)

def setup_inputs(seed: int = 0) -> dict:
    key = jax.random.key(seed)
    k1, k2, k3, k4, k5 = jax.random.split(key, 5)
    X = jax.random.normal(k1, (N, D), dtype=jnp.float32)
    ref_a = jax.random.randint(k2, (E,), 0, N, dtype=jnp.int32)
    ref_b = jax.random.randint(k3, (E,), 0, N, dtype=jnp.int32)
    W_hidden = _glorot(k4, (D, H))
    b_hidden = jnp.zeros((H,), dtype=jnp.float32)
    W_out = _glorot(k5, (H, H))
    b_out = jnp.zeros((H,), dtype=jnp.float32)
    return {"X": X, "ref_a": ref_a, "ref_b": ref_b,
            "W_hidden": W_hidden, "b_hidden": b_hidden,
            "W_out": W_out, "b_out": b_out}

def reference(X, ref_a, ref_b, W_hidden, b_hidden, W_out, b_out):
    # wl1_convolution (undirected): X_agg starts as X, then scatter-add both directions
    X_a = jnp.take(X, ref_a, axis=0)
    X_agg = X.at[ref_b].add(X_a)
    X_b = jnp.take(X, ref_b, axis=0)
    X_agg = X_agg.at[ref_a].add(X_b)
    X_hid = X_agg @ W_hidden + b_hidden
    X_out = X_hid @ W_out + b_out
    return jax.nn.relu(X_out)

if __name__ == "__main__":
    import jax
    _d = setup_inputs()
    print(jax.jit(kernel)(*tuple(_d.values())))

</pallas_src>

<mosaic_0001>
#map = affine_map<(d0, d1) -> (0, 0)>
#map1 = affine_map<(d0, d1) -> (0, 0, 0)>
module attributes {stable_mosaic.version = 14 : i64} {
  func.func @sc_agg(%arg0: i32, %arg1: i32, %arg2: memref<10000x128xf32, #tpu.memory_space<hbm>>, %arg3: memref<10000x128xf32, #tpu.memory_space<hbm>>, %arg4: memref<32x10080xi32, #tpu.memory_space<hbm>>, %arg5: memref<2x10000x128xf32, #tpu.memory_space<hbm>>, %arg6: memref<10080xi32, #tpu.memory_space<vmem>>, %arg7: memref<48x128xf32, #tpu.memory_space<vmem>>, %arg8: memref<48x128xf32, #tpu.memory_space<vmem>>, %arg9: memref<48xi32, #tpu.memory_space<vmem>>, %arg10: memref<48xi32, #tpu.memory_space<vmem>>, %arg11: memref<48xi32, #tpu.memory_space<vmem>>, %arg12: memref<48xi32, #tpu.memory_space<vmem>>, %arg13: memref<!tpu.dma_semaphore, #tpu.memory_space<semaphore_mem>>, %arg14: memref<!tpu.dma_semaphore, #tpu.memory_space<semaphore_mem>>, %arg15: memref<10128x128xf32, #tpu.memory_space<vmem_shared>>, %arg16: memref<2048x128xf32, #tpu.memory_space<vmem_shared>>) attributes {dimension_semantics = [#tpu.dimension_semantics<core_parallel>, #tpu.dimension_semantics<subcore_parallel>], iteration_bounds = array<i64: 2, 16>, scalar_prefetch = 0 : i64, scratch_operands = 11 : i64, tpu.core_type = #tpu.core_type<sc_vector_subcore>, window_params = [{transform_indices = #map}, {transform_indices = #map}, {transform_indices = #map}, {transform_indices = #map1}]} {
    %mul3A = arith.constant 16 : i32
    %mul3A_0 = arith.muli %arg0, %mul3A : i32
    %add3A = arith.addi %mul3A_0, %arg1 : i32
    %lt3A = arith.constant 15 : i32
    %lt3A_1 = arith.cmpi slt, %arg1, %lt3A : i32
    %convert_element_type3A = arith.extui %lt3A_1 : i1 to i32
    %cond3A = arith.constant 0 : i32
    %cond3A_2 = arith.cmpi ne, %convert_element_type3A, %cond3A : i32
    scf.if %cond3A_2 {
      %mul3A_131 = arith.constant 632 : i32
      %mul3A_132 = arith.muli %arg1, %mul3A_131 : i32
      %multiple_of3A_133 = tpu.assume_multiple %mul3A_132, 8 : i32
      "tpu.region"() ({
        %run_scoped3A = tpu.sem_alloc : memref<!tpu.dma_semaphore, #tpu.memory_space<semaphore_mem>>
        %dma_start3A_134 = arith.constant 0 : i32
        %dma_start3A_135 = tpu.memref_slice %arg15[%multiple_of3A_133, %dma_start3A_134] : memref<10128x128xf32, #tpu.memory_space<vmem_shared>> -> memref<632x128xf32, #tpu.memory_space<vmem_shared>>
        %dma_start3A_136 = arith.constant 0 : i32
        %dma_start3A_137 = tpu.memref_slice %arg2[%multiple_of3A_133, %dma_start3A_136] : memref<10000x128xf32, #tpu.memory_space<hbm>> -> memref<632x128xf32, #tpu.memory_space<hbm>>
        tpu.enqueue_dma source(%dma_start3A_137 : memref<632x128xf32, #tpu.memory_space<hbm>>) target(%dma_start3A_135 : memref<632x128xf32, #tpu.memory_space<vmem_shared>>) target_semaphore(%run_scoped3A : memref<!tpu.dma_semaphore, #tpu.memory_space<semaphore_mem>>)
        %dma_wait3A = arith.constant 0 : i32
        %dma_wait3A_138 = tpu.memref_slice %arg15[%multiple_of3A_133, %dma_wait3A] : memref<10128x128xf32, #tpu.memory_space<vmem_shared>> -> memref<632x128xf32, #tpu.memory_space<vmem_shared>>
        %dma_wait3A_139 = arith.constant 0 : i32
        %dma_wait3A_140 = tpu.memref_slice %arg2[%multiple_of3A_133, %dma_wait3A_139] : memref<10000x128xf32, #tpu.memory_space<hbm>> -> memref<632x128xf32, #tpu.memory_space<hbm>>
        tpu.wait_dma2 semaphore(%run_scoped3A : memref<!tpu.dma_semaphore, #tpu.memory_space<semaphore_mem>>) src(%dma_wait3A_140 : memref<632x128xf32, #tpu.memory_space<hbm>>) dst(%dma_wait3A_138 : memref<632x128xf32, #tpu.memory_space<vmem_shared>>)
        tpu.yield
      }) : () -> ()
    } else {
    }
    %eq3A = arith.constant 15 : i32
    %eq3A_3 = arith.cmpi eq, %arg1, %eq3A : i32
    %convert_element_type3A_4 = arith.extui %eq3A_3 : i1 to i32
    %cond3A_5 = arith.constant 0 : i32
    %cond3A_6 = arith.cmpi ne, %convert_element_type3A_4, %cond3A_5 : i32
    scf.if %cond3A_6 {
      "tpu.region"() ({
        %run_scoped3A = tpu.sem_alloc : memref<!tpu.dma_semaphore, #tpu.memory_space<semaphore_mem>>
        %dma_start3A_131 = arith.constant 9480 : i32
        %dma_start3A_132 = arith.constant 0 : i32
        %dma_start3A_133 = tpu.memref_slice %arg15[%dma_start3A_131, %dma_start3A_132] : memref<10128x128xf32, #tpu.memory_space<vmem_shared>> -> memref<520x128xf32, #tpu.memory_space<vmem_shared>>
        %dma_start3A_134 = arith.constant 9480 : i32
        %dma_start3A_135 = arith.constant 0 : i32
        %dma_start3A_136 = tpu.memref_slice %arg2[%dma_start3A_134, %dma_start3A_135] : memref<10000x128xf32, #tpu.memory_space<hbm>> -> memref<520x128xf32, #tpu.memory_space<hbm>>
        tpu.enqueue_dma source(%dma_start3A_136 : memref<520x128xf32, #tpu.memory_space<hbm>>) target(%dma_start3A_133 : memref<520x128xf32, #tpu.memory_space<vmem_shared>>) target_semaphore(%run_scoped3A : memref<!tpu.dma_semaphore, #tpu.memory_space<semaphore_mem>>)
        %dma_wait3A = arith.constant 9480 : i32
        %dma_wait3A_137 = arith.constant 0 : i32
        %dma_wait3A_138 = tpu.memref_slice %arg15[%dma_wait3A, %dma_wait3A_137] : memref<10128x128xf32, #tpu.memory_space<vmem_shared>> -> memref<520x128xf32, #tpu.memory_space<vmem_shared>>
        %dma_wait3A_139 = arith.constant 9480 : i32
        %dma_wait3A_140 = arith.constant 0 : i32
        %dma_wait3A_141 = tpu.memref_slice %arg2[%dma_wait3A_139, %dma_wait3A_140] : memref<10000x128xf32, #tpu.memory_space<hbm>> -> memref<520x128xf32, #tpu.memory_space<hbm>>
        tpu.wait_dma2 semaphore(%run_scoped3A : memref<!tpu.dma_semaphore, #tpu.memory_space<semaphore_mem>>) src(%dma_wait3A_141 : memref<520x128xf32, #tpu.memory_space<hbm>>) dst(%dma_wait3A_138 : memref<520x128xf32, #tpu.memory_space<vmem_shared>>)
        tpu.yield
      }) : () -> ()
    } else {
    }
    "tpu.region"() ({
      %run_scoped3A = tpu.sem_alloc : memref<!tpu.dma_semaphore, #tpu.memory_space<semaphore_mem>>
      %dma_start3A_131 = arith.constant 0 : i32
      %dma_start3A_132 = tpu.memref_slice %arg4[%add3A, %dma_start3A_131] : memref<32x10080xi32, #tpu.memory_space<hbm>> -> memref<1x10080xi32, #tpu.memory_space<hbm>>
      %dma_start3A_133 = tpu.memref_squeeze %dma_start3A_132 : memref<1x10080xi32, #tpu.memory_space<hbm>> -> memref<10080xi32, #tpu.memory_space<hbm>>
      %dma_start3A_134 = arith.constant 0 : i32
      %dma_start3A_135 = tpu.memref_slice %arg4[%add3A, %dma_start3A_134] : memref<32x10080xi32, #tpu.memory_space<hbm>> -> memref<1x10080xi32, #tpu.memory_space<hbm>>
      %dma_start3A_136 = tpu.memref_squeeze %dma_start3A_135 : memref<1x10080xi32, #tpu.memory_space<hbm>> -> memref<10080xi32, #tpu.memory_space<hbm>>
      tpu.enqueue_dma source(%dma_start3A_136 : memref<10080xi32, #tpu.memory_space<hbm>>) target(%arg6 : memref<10080xi32, #tpu.memory_space<vmem>>) target_semaphore(%run_scoped3A : memref<!tpu.dma_semaphore, #tpu.memory_space<semaphore_mem>>)
      %dma_wait3A = arith.constant 0 : i32
      %dma_wait3A_137 = tpu.memref_slice %arg4[%add3A, %dma_wait3A] : memref<32x10080xi32, #tpu.memory_space<hbm>> -> memref<1x10080xi32, #tpu.memory_space<hbm>>
      %dma_wait3A_138 = tpu.memref_squeeze %dma_wait3A_137 : memref<1x10080xi32, #tpu.memory_space<hbm>> -> memref<10080xi32, #tpu.memory_space<hbm>>
      %dma_wait3A_139 = arith.constant 0 : i32
      %dma_wait3A_140 = tpu.memref_slice %arg4[%add3A, %dma_wait3A_139] : memref<32x10080xi32, #tpu.memory_space<hbm>> -> memref<1x10080xi32, #tpu.memory_space<hbm>>
      %dma_wait3A_141 = tpu.memref_squeeze %dma_wait3A_140 : memref<1x10080xi32, #tpu.memory_space<hbm>> -> memref<10080xi32, #tpu.memory_space<hbm>>
      tpu.wait_dma2 semaphore(%run_scoped3A : memref<!tpu.dma_semaphore, #tpu.memory_space<semaphore_mem>>) src(%dma_wait3A_141 : memref<10080xi32, #tpu.memory_space<hbm>>) dst(%arg6 : memref<10080xi32, #tpu.memory_space<vmem>>)
      tpu.yield
    }) : () -> ()
    %mul3A_7 = arith.constant 128 : i32
    %mul3A_8 = arith.muli %arg1, %mul3A_7 : i32
    %multiple_of3A = tpu.assume_multiple %mul3A_8, 8 : i32
    %mul3A_9 = arith.constant 128 : i32
    %mul3A_10 = arith.muli %arg1, %mul3A_9 : i32
    %multiple_of3A_11 = tpu.assume_multiple %mul3A_10, 8 : i32
    "tpu.region"() ({
      %run_scoped3A = tpu.sem_alloc : memref<!tpu.dma_semaphore, #tpu.memory_space<semaphore_mem>>
      %dma_start3A_131 = arith.constant 0 : i32
      %dma_start3A_132 = tpu.memref_slice %arg16[%multiple_of3A_11, %dma_start3A_131] : memref<2048x128xf32, #tpu.memory_space<vmem_shared>> -> memref<128x128xf32, #tpu.memory_space<vmem_shared>>
      %dma_start3A_133 = arith.constant 0 : i32
      %dma_start3A_134 = tpu.memref_slice %arg2[%multiple_of3A, %dma_start3A_133] : memref<10000x128xf32, #tpu.memory_space<hbm>> -> memref<128x128xf32, #tpu.memory_space<hbm>>
      tpu.enqueue_dma source(%dma_start3A_134 : memref<128x128xf32, #tpu.memory_space<hbm>>) target(%dma_start3A_132 : memref<128x128xf32, #tpu.memory_space<vmem_shared>>) target_semaphore(%run_scoped3A : memref<!tpu.dma_semaphore, #tpu.memory_space<semaphore_mem>>)
      %dma_wait3A = arith.constant 0 : i32
      %dma_wait3A_135 = tpu.memref_slice %arg16[%multiple_of3A_11, %dma_wait3A] : memref<2048x128xf32, #tpu.memory_space<vmem_shared>> -> memref<128x128xf32, #tpu.memory_space<vmem_shared>>
      %dma_wait3A_136 = arith.constant 0 : i32
      %dma_wait3A_137 = tpu.memref_slice %arg2[%multiple_of3A, %dma_wait3A_136] : memref<10000x128xf32, #tpu.memory_space<hbm>> -> memref<128x128xf32, #tpu.memory_space<hbm>>
      tpu.wait_dma2 semaphore(%run_scoped3A : memref<!tpu.dma_semaphore, #tpu.memory_space<semaphore_mem>>) src(%dma_wait3A_137 : memref<128x128xf32, #tpu.memory_space<hbm>>) dst(%dma_wait3A_135 : memref<128x128xf32, #tpu.memory_space<vmem_shared>>)
      tpu.yield
    }) : () -> ()
    %barrier3A = arith.constant 0 : index
    tpu.barrier barrier_id(%barrier3A)
    %get3A = arith.constant 0 : index
    %get3A_12 = tpu.vector_load %arg6[%get3A] {strides = array<i32>} : memref<10080xi32, #tpu.memory_space<vmem>>, vector<16xi32>,
    %get3A_13 = vector.shape_cast %get3A_12 : vector<16xi32> to vector<16xi32>
    %and3A = arith.constant 2047 : i32
    %and3A_14 = vector.broadcast %and3A : i32 to vector<16xi32>
    %and3A_15 = arith.andi %get3A_13, %and3A_14 : vector<16xi32>
    %swap3A = arith.constant 0 : index
    %swap3A_16 = tpu.vector_load %arg9[%swap3A] {strides = array<i32>} : memref<48xi32, #tpu.memory_space<vmem>>, vector<16xi32>,
    %swap3A_17 = vector.shape_cast %swap3A_16 : vector<16xi32> to vector<16xi32>
    %swap3A_18 = vector.shape_cast %and3A_15 : vector<16xi32> to vector<16xi32>
    tpu.vector_store %arg9[%swap3A], %swap3A_18 {strides = array<i32>} : memref<48xi32, #tpu.memory_space<vmem>>, vector<16xi32>,
    %shift_right_logical3A = arith.constant 16 : i32
    %shift_right_logical3A_19 = vector.broadcast %shift_right_logical3A : i32 to vector<16xi32>
    %shift_right_logical3A_20 = arith.shrui %get3A_13, %shift_right_logical3A_19 : vector<16xi32>
    %swap3A_21 = arith.constant 0 : index
    %swap3A_22 = tpu.vector_load %arg11[%swap3A_21] {strides = array<i32>} : memref<48xi32, #tpu.memory_space<vmem>>, vector<16xi32>,
    %swap3A_23 = vector.shape_cast %swap3A_22 : vector<16xi32> to vector<16xi32>
    %swap3A_24 = vector.shape_cast %shift_right_logical3A_20 : vector<16xi32> to vector<16xi32>
    tpu.vector_store %arg11[%swap3A_21], %swap3A_24 {strides = array<i32>} : memref<48xi32, #tpu.memory_space<vmem>>, vector<16xi32>,
    %get3A_25 = arith.constant 16 : index
    %get3A_26 = tpu.vector_load %arg6[%get3A_25] {strides = array<i32>} : memref<10080xi32, #tpu.memory_space<vmem>>, vector<16xi32>,
    %get3A_27 = vector.shape_cast %get3A_26 : vector<16xi32> to vector<16xi32>
    %and3A_28 = arith.constant 2047 : i32
    %and3A_29 = vector.broadcast %and3A_28 : i32 to vector<16xi32>
    %and3A_30 = arith.andi %get3A_27, %and3A_29 : vector<16xi32>
    %swap3A_31 = arith.constant 16 : index
    %swap3A_32 = tpu.vector_load %arg9[%swap3A_31] {strides = array<i32>} : memref<48xi32, #tpu.memory_space<vmem>>, vector<16xi32>,
    %swap3A_33 = vector.shape_cast %swap3A_32 : vector<16xi32> to vector<16xi32>
    %swap3A_34 = vector.shape_cast %and3A_30 : vector<16xi32> to vector<16xi32>
    tpu.vector_store %arg9[%swap3A_31], %swap3A_34 {strides = array<i32>} : memref<48xi32, #tpu.memory_space<vmem>>, vector<16xi32>,
    %shift_right_logical3A_35 = arith.constant 16 : i32
    %shift_right_logical3A_36 = vector.broadcast %shift_right_logical3A_35 : i32 to vector<16xi32>
    %shift_right_logical3A_37 = arith.shrui %get3A_27, %shift_right_logical3A_36 : vector<16xi32>
    %swap3A_38 = arith.constant 16 : index
    %swap3A_39 = tpu.vector_load %arg11[%swap3A_38] {strides = array<i32>} : memref<48xi32, #tpu.memory_space<vmem>>, vector<16xi32>,
    %swap3A_40 = vector.shape_cast %swap3A_39 : vector<16xi32> to vector<16xi32>
    %swap3A_41 = vector.shape_cast %shift_right_logical3A_37 : vector<16xi32> to vector<16xi32>
    tpu.vector_store %arg11[%swap3A_38], %swap3A_41 {strides = array<i32>} : memref<48xi32, #tpu.memory_space<vmem>>, vector<16xi32>,
    %get3A_42 = arith.constant 32 : index
    %get3A_43 = tpu.vector_load %arg6[%get3A_42] {strides = array<i32>} : memref<10080xi32, #tpu.memory_space<vmem>>, vector<16xi32>,
    %get3A_44 = vector.shape_cast %get3A_43 : vector<16xi32> to vector<16xi32>
    %and3A_45 = arith.constant 2047 : i32
    %and3A_46 = vector.broadcast %and3A_45 : i32 to vector<16xi32>
    %and3A_47 = arith.andi %get3A_44, %and3A_46 : vector<16xi32>
    %swap3A_48 = arith.constant 32 : index
    %swap3A_49 = tpu.vector_load %arg9[%swap3A_48] {strides = array<i32>} : memref<48xi32, #tpu.memory_space<vmem>>, vector<16xi32>,
    %swap3A_50 = vector.shape_cast %swap3A_49 : vector<16xi32> to vector<16xi32>
    %swap3A_51 = vector.shape_cast %and3A_47 : vector<16xi32> to vector<16xi32>
    tpu.vector_store %arg9[%swap3A_48], %swap3A_51 {strides = array<i32>} : memref<48xi32, #tpu.memory_space<vmem>>, vector<16xi32>,
    %shift_right_logical3A_52 = arith.constant 16 : i32
    %shift_right_logical3A_53 = vector.broadcast %shift_right_logical3A_52 : i32 to vector<16xi32>
    %shift_right_logical3A_54 = arith.shrui %get3A_44, %shift_right_logical3A_53 : vector<16xi32>
    %swap3A_55 = arith.constant 32 : index
    %swap3A_56 = tpu.vector_load %arg11[%swap3A_55] {strides = array<i32>} : memref<48xi32, #tpu.memory_space<vmem>>, vector<16xi32>,
    %swap3A_57 = vector.shape_cast %swap3A_56 : vector<16xi32> to vector<16xi32>
    %swap3A_58 = vector.shape_cast %shift_right_logical3A_54 : vector<16xi32> to vector<16xi32>
    tpu.vector_store %arg11[%swap3A_55], %swap3A_58 {strides = array<i32>} : memref<48xi32, #tpu.memory_space<vmem>>, vector<16xi32>,
    %dma_start3A = arith.constant 0 : i32
    %dma_start3A_59 = arith.constant 0 : i32
    %dma_start3A_60 = tpu.memref_slice %arg16[%dma_start3A, %dma_start3A_59] : memref<2048x128xf32, #tpu.memory_space<vmem_shared>> -> memref<2048x128xf32, #tpu.memory_space<vmem_shared>>
    tpu.enqueue_indirect_dma source(%dma_start3A_60 : memref<2048x128xf32, #tpu.memory_space<vmem_shared>>) target(%arg7 : memref<48x128xf32, #tpu.memory_space<vmem>>) offsets(%arg9 : memref<48xi32, #tpu.memory_space<vmem>>) semaphore(%arg13 : memref<!tpu.dma_semaphore, #tpu.memory_space<semaphore_mem>>)
    %get3A_61 = arith.constant 48 : index
    %get3A_62 = tpu.vector_load %arg6[%get3A_61] {strides = array<i32>} : memref<10080xi32, #tpu.memory_space<vmem>>, vector<16xi32>,
    %get3A_63 = vector.shape_cast %get3A_62 : vector<16xi32> to vector<16xi32>
    %and3A_64 = arith.constant 2047 : i32
    %and3A_65 = vector.broadcast %and3A_64 : i32 to vector<16xi32>
    %and3A_66 = arith.andi %get3A_63, %and3A_65 : vector<16xi32>
    %swap3A_67 = arith.constant 0 : index
    %swap3A_68 = tpu.vector_load %arg10[%swap3A_67] {strides = array<i32>} : memref<48xi32, #tpu.memory_space<vmem>>, vector<16xi32>,
    %swap3A_69 = vector.shape_cast %swap3A_68 : vector<16xi32> to vector<16xi32>
    %swap3A_70 = vector.shape_cast %and3A_66 : vector<16xi32> to vector<16xi32>
    tpu.vector_store %arg10[%swap3A_67], %swap3A_70 {strides = array<i32>} : memref<48xi32, #tpu.memory_space<vmem>>, vector<16xi32>,
    %shift_right_logical3A_71 = arith.constant 16 : i32
    %shift_right_logical3A_72 = vector.broadcast %shift_right_logical3A_71 : i32 to vector<16xi32>
    %shift_right_logical3A_73 = arith.shrui %get3A_63, %shift_right_logical3A_72 : vector<16xi32>
    %swap3A_74 = arith.constant 0 : index
    %swap3A_75 = tpu.vector_load %arg12[%swap3A_74] {strides = array<i32>} : memref<48xi32, #tpu.memory_space<vmem>>, vector<16xi32>,
    %swap3A_76 = vector.shape_cast %swap3A_75 : vector<16xi32> to vector<16xi32>
    %swap3A_77 = vector.shape_cast %shift_right_logical3A_73 : vector<16xi32> to vector<16xi32>
    tpu.vector_store %arg12[%swap3A_74], %swap3A_77 {strides = array<i32>} : memref<48xi32, #tpu.memory_space<vmem>>, vector<16xi32>,
    %get3A_78 = arith.constant 64 : index
    %get3A_79 = tpu.vector_load %arg6[%get3A_78] {strides = array<i32>} : memref<10080xi32, #tpu.memory_space<vmem>>, vector<16xi32>,
    %get3A_80 = vector.shape_cast %get3A_79 : vector<16xi32> to vector<16xi32>
    %and3A_81 = arith.constant 2047 : i32
    %and3A_82 = vector.broadcast %and3A_81 : i32 to vector<16xi32>
    %and3A_83 = arith.andi %get3A_80, %and3A_82 : vector<16xi32>
    %swap3A_84 = arith.constant 16 : index
    %swap3A_85 = tpu.vector_load %arg10[%swap3A_84] {strides = array<i32>} : memref<48xi32, #tpu.memory_space<vmem>>, vector<16xi32>,
    %swap3A_86 = vector.shape_cast %swap3A_85 : vector<16xi32> to vector<16xi32>
    %swap3A_87 = vector.shape_cast %and3A_83 : vector<16xi32> to vector<16xi32>
    tpu.vector_store %arg10[%swap3A_84], %swap3A_87 {strides = array<i32>} : memref<48xi32, #tpu.memory_space<vmem>>, vector<16xi32>,
    %shift_right_logical3A_88 = arith.constant 16 : i32
    %shift_right_logical3A_89 = vector.broadcast %shift_right_logical3A_88 : i32 to vector<16xi32>
    %shift_right_logical3A_90 = arith.shrui %get3A_80, %shift_right_logical3A_89 : vector<16xi32>
    %swap3A_91 = arith.constant 16 : index
    %swap3A_92 = tpu.vector_load %arg12[%swap3A_91] {strides = array<i32>} : memref<48xi32, #tpu.memory_space<vmem>>, vector<16xi32>,
    %swap3A_93 = vector.shape_cast %swap3A_92 : vector<16xi32> to vector<16xi32>
    %swap3A_94 = vector.shape_cast %shift_right_logical3A_90 : vector<16xi32> to vector<16xi32>
    tpu.vector_store %arg12[%swap3A_91], %swap3A_94 {strides = array<i32>} : memref<48xi32, #tpu.memory_space<vmem>>, vector<16xi32>,
    %get3A_95 = arith.constant 80 : index
    %get3A_96 = tpu.vector_load %arg6[%get3A_95] {strides = array<i32>} : memref<10080xi32, #tpu.memory_space<vmem>>, vector<16xi32>,
    %get3A_97 = vector.shape_cast %get3A_96 : vector<16xi32> to vector<16xi32>
    %and3A_98 = arith.constant 2047 : i32
    %and3A_99 = vector.broadcast %and3A_98 : i32 to vector<16xi32>
    %and3A_100 = arith.andi %get3A_97, %and3A_99 : vector<16xi32>
    %swap3A_101 = arith.constant 32 : index
    %swap3A_102 = tpu.vector_load %arg10[%swap3A_101] {strides = array<i32>} : memref<48xi32, #tpu.memory_space<vmem>>, vector<16xi32>,
    %swap3A_103 = vector.shape_cast %swap3A_102 : vector<16xi32> to vector<16xi32>
    %swap3A_104 = vector.shape_cast %and3A_100 : vector<16xi32> to vector<16xi32>
    tpu.vector_store %arg10[%swap3A_101], %swap3A_104 {strides = array<i32>} : memref<48xi32, #tpu.memory_space<vmem>>, vector<16xi32>,
    %shift_right_logical3A_105 = arith.constant 16 : i32
    %shift_right_logical3A_106 = vector.broadcast %shift_right_logical3A_105 : i32 to vector<16xi32>
    %shift_right_logical3A_107 = arith.shrui %get3A_97, %shift_right_logical3A_106 : vector<16xi32>
    %swap3A_108 = arith.constant 32 : index
    %swap3A_109 = tpu.vector_load %arg12[%swap3A_108] {strides = array<i32>} : memref<48xi32, #tpu.memory_space<vmem>>, vector<16xi32>,
    %swap3A_110 = vector.shape_cast %swap3A_109 : vector<16xi32> to vector<16xi32>
    %swap3A_111 = vector.shape_cast %shift_right_logical3A_107 : vector<16xi32> to vector<16xi32>
    tpu.vector_store %arg12[%swap3A_108], %swap3A_111 {strides = array<i32>} : memref<48xi32, #tpu.memory_space<vmem>>, vector<16xi32>,
    %dma_start3A_112 = arith.constant 0 : i32
    %dma_start3A_113 = arith.constant 0 : i32
    %dma_start3A_114 = tpu.memref_slice %arg16[%dma_start3A_112, %dma_start3A_113] : memref<2048x128xf32, #tpu.memory_space<vmem_shared>> -> memref<2048x128xf32, #tpu.memory_space<vmem_shared>>
    tpu.enqueue_indirect_dma source(%dma_start3A_114 : memref<2048x128xf32, #tpu.memory_space<vmem_shared>>) target(%arg8 : memref<48x128xf32, #tpu.memory_space<vmem>>) offsets(%arg10 : memref<48xi32, #tpu.memory_space<vmem>>) semaphore(%arg14 : memref<!tpu.dma_semaphore, #tpu.memory_space<semaphore_mem>>)
    %scan3A = arith.constant 0 : i32
    %scan3A_115 = arith.constant 0 : i32
    %scan3A_116 = arith.constant 105 : i32
    %scan3A_117 = arith.addi %scan3A_115, %scan3A_116 : i32
    %scan3A_118 = arith.constant 1 : i32
    scf.for %scan3A_131 = %scan3A_115 to %scan3A_117 step %scan3A_118  : i32 {
      %mul3A_132 = arith.constant 2 : i32
      %mul3A_133 = arith.muli %scan3A_131, %mul3A_132 : i32
      %add3A_134 = arith.constant 0 : i32
      %add3A_135 = arith.addi %mul3A_133, %add3A_134 : i32
      %dma_wait3A = arith.constant 0 : i32
      %dma_wait3A_136 = arith.constant 0 : i32
      %dma_wait3A_137 = tpu.memref_slice %arg16[%dma_wait3A, %dma_wait3A_136] : memref<2048x128xf32, #tpu.memory_space<vmem_shared>> -> memref<2048x128xf32, #tpu.memory_space<vmem_shared>>
      tpu.wait_indirect_dma semaphore(%arg13 : memref<!tpu.dma_semaphore, #tpu.memory_space<semaphore_mem>>) src(%dma_wait3A_137 : memref<2048x128xf32, #tpu.memory_space<vmem_shared>>) dst(%arg7 : memref<48x128xf32, #tpu.memory_space<vmem>>)
      %add3A_138 = arith.constant 2 : i32
      %add3A_139 = arith.addi %add3A_135, %add3A_138 : i32
      %lt3A_140 = arith.constant 210 : i32
      %lt3A_141 = arith.cmpi slt, %add3A_139, %lt3A_140 : i32
      %convert_element_type3A_142 = arith.extui %lt3A_141 : i1 to i32
      %cond3A_143 = arith.constant 0 : i32
      %cond3A_144 = arith.cmpi ne, %convert_element_type3A_142, %cond3A_143 : i32
      scf.if %cond3A_144 {
        %add3A_159 = arith.constant 2 : i32
        %add3A_160 = arith.addi %add3A_135, %add3A_159 : i32
        %mul3A_161 = arith.constant 48 : i32
        %mul3A_162 = arith.muli %add3A_160, %mul3A_161 : i32
        %add3A_163 = arith.constant 0 : i32
        %add3A_164 = arith.addi %mul3A_162, %add3A_163 : i32
        %get3A_165 = arith.index_cast %add3A_164 : i32 to index
        %get3A_166 = tpu.vector_load %arg6[%get3A_165] {strides = array<i32>} : memref<10080xi32, #tpu.memory_space<vmem>>, vector<16xi32>,
        %get3A_167 = vector.shape_cast %get3A_166 : vector<16xi32> to vector<16xi32>
        %and3A_168 = arith.constant 2047 : i32
        %and3A_169 = vector.broadcast %and3A_168 : i32 to vector<16xi32>
        %and3A_170 = arith.andi %get3A_167, %and3A_169 : vector<16xi32>
        %swap3A_171 = arith.constant 0 : index
        %swap3A_172 = tpu.vector_load %arg9[%swap3A_171] {strides = array<i32>} : memref<48xi32, #tpu.memory_space<vmem>>, vector<16xi32>,
        %swap3A_173 = vector.shape_cast %swap3A_172 : vector<16xi32> to vector<16xi32>
        %swap3A_174 = vector.shape_cast %and3A_170 : vector<16xi32> to vector<16xi32>
        tpu.vector_store %arg9[%swap3A_171], %swap3A_174 {strides = array<i32>} : memref<48xi32, #tpu.memory_space<vmem>>, vector<16xi32>,
        %shift_right_logical3A_175 = arith.constant 16 : i32
        %shift_right_logical3A_176 = vector.broadcast %shift_right_logical3A_175 : i32 to vector<16xi32>
        %shift_right_logical3A_177 = arith.shrui %get3A_167, %shift_right_logical3A_176 : vector<16xi32>
        %swap3A_178 = arith.constant 0 : index
        %swap3A_179 = tpu.vector_load %arg11[%swap3A_178] {strides = array<i32>} : memref<48xi32, #tpu.memory_space<vmem>>, vector<16xi32>,
        %swap3A_180 = vector.shape_cast %swap3A_179 : vector<16xi32> to vector<16xi32>
        %swap3A_181 = vector.shape_cast %shift_right_logical3A_177 : vector<16xi32> to vector<16xi32>
        tpu.vector_store %arg11[%swap3A_178], %swap3A_181 {strides = array<i32>} : memref<48xi32, #tpu.memory_space<vmem>>, vector<16xi32>,
        %mul3A_182 = arith.constant 48 : i32
        %mul3A_183 = arith.muli %add3A_160, %mul3A_182 : i32
        %add3A_184 = arith.constant 16 : i32
        %add3A_185 = arith.addi %mul3A_183, %add3A_184 : i32
        %get3A_186 = arith.index_cast %add3A_185 : i32 to index
        %get3A_187 = tpu.vector_load %arg6[%get3A_186] {strides = array<i32>} : memref<10080xi32, #tpu.memory_space<vmem>>, vector<16xi32>,
        %get3A_188 = vector.shape_cast %get3A_187 : vector<16xi32> to vector<16xi32>
        %and3A_189 = arith.constant 2047 : i32
        %and3A_190 = vector.broadcast %and3A_189 : i32 to vector<16xi32>
        %and3A_191 = arith.andi %get3A_188, %and3A_190 : vector<16xi32>
        %swap3A_192 = arith.constant 16 : index
        %swap3A_193 = tpu.vector_load %arg9[%swap3A_192] {strides = array<i32>} : memref<48xi32, #tpu.memory_space<vmem>>, vector<16xi32>,
        %swap3A_194 = vector.shape_cast %swap3A_193 : vector<16xi32> to vector<16xi32>
        %swap3A_195 = vector.shape_cast %and3A_191 : vector<16xi32> to vector<16xi32>
        tpu.vector_store %arg9[%swap3A_192], %swap3A_195 {strides = array<i32>} : memref<48xi32, #tpu.memory_space<vmem>>, vector<16xi32>,
        %shift_right_logical3A_196 = arith.constant 16 : i32
        %shift_right_logical3A_197 = vector.broadcast %shift_right_logical3A_196 : i32 to vector<16xi32>
        %shift_right_logical3A_198 = arith.shrui %get3A_188, %shift_right_logical3A_197 : vector<16xi32>
        %swap3A_199 = arith.constant 16 : index
        %swap3A_200 = tpu.vector_load %arg11[%swap3A_199] {strides = array<i32>} : memref<48xi32, #tpu.memory_space<vmem>>, vector<16xi32>,
        %swap3A_201 = vector.shape_cast %swap3A_200 : vector<16xi32> to vector<16xi32>
        %swap3A_202 = vector.shape_cast %shift_right_logical3A_198 : vector<16xi32> to vector<16xi32>
        tpu.vector_store %arg11[%swap3A_199], %swap3A_202 {strides = array<i32>} : memref<48xi32, #tpu.memory_space<vmem>>, vector<16xi32>,
        %mul3A_203 = arith.constant 48 : i32
        %mul3A_204 = arith.muli %add3A_160, %mul3A_203 : i32
        %add3A_205 = arith.constant 32 : i32
        %add3A_206 = arith.addi %mul3A_204, %add3A_205 : i32
        %get3A_207 = arith.index_cast %add3A_206 : i32 to index
        %get3A_208 = tpu.vector_load %arg6[%get3A_207] {strides = array<i32>} : memref<10080xi32, #tpu.memory_space<vmem>>, vector<16xi32>,
        %get3A_209 = vector.shape_cast %get3A_208 : vector<16xi32> to vector<16xi32>
        %and3A_210 = arith.constant 2047 : i32
        %and3A_211 = vector.broadcast %and3A_210 : i32 to vector<16xi32>
        %and3A_212 = arith.andi %get3A_209, %and3A_211 : vector<16xi32>
        %swap3A_213 = arith.constant 32 : index
        %swap3A_214 = tpu.vector_load %arg9[%swap3A_213] {strides = array<i32>} : memref<48xi32, #tpu.memory_space<vmem>>, vector<16xi32>,
        %swap3A_215 = vector.shape_cast %swap3A_214 : vector<16xi32> to vector<16xi32>
        %swap3A_216 = vector.shape_cast %and3A_212 : vector<16xi32> to vector<16xi32>
        tpu.vector_store %arg9[%swap3A_213], %swap3A_216 {strides = array<i32>} : memref<48xi32, #tpu.memory_space<vmem>>, vector<16xi32>,
        %shift_right_logical3A_217 = arith.constant 16 : i32
        %shift_right_logical3A_218 = vector.broadcast %shift_right_logical3A_217 : i32 to vector<16xi32>
        %shift_right_logical3A_219 = arith.shrui %get3A_209, %shift_right_logical3A_218 : vector<16xi32>
        %swap3A_220 = arith.constant 32 : index
        %swap3A_221 = tpu.vector_load %arg11[%swap3A_220] {strides = array<i32>} : memref<48xi32, #tpu.memory_space<vmem>>, vector<16xi32>,
        %swap3A_222 = vector.shape_cast %swap3A_221 : vector<16xi32> to vector<16xi32>
        %swap3A_223 = vector.shape_cast %shift_right_logical3A_219 : vector<16xi32> to vector<16xi32>
        tpu.vector_store %arg11[%swap3A_220], %swap3A_223 {strides = array<i32>} : memref<48xi32, #tpu.memory_space<vmem>>, vector<16xi32>,
        %dma_start3A_224 = arith.constant 0 : i32
        %dma_start3A_225 = arith.constant 0 : i32
        %dma_start3A_226 = tpu.memref_slice %arg16[%dma_start3A_224, %dma_start3A_225] : memref<2048x128xf32, #tpu.memory_space<vmem_shared>> -> memref<2048x128xf32, #tpu.memory_space<vmem_shared>>
        tpu.enqueue_indirect_dma source(%dma_start3A_226 : memref<2048x128xf32, #tpu.memory_space<vmem_shared>>) target(%arg7 : memref<48x128xf32, #tpu.memory_space<vmem>>) offsets(%arg9 : memref<48xi32, #tpu.memory_space<vmem>>) semaphore(%arg13 : memref<!tpu.dma_semaphore, #tpu.memory_space<semaphore_mem>>)
      } else {
      }
      %mul3A_145 = arith.constant 2 : i32
      %mul3A_146 = arith.muli %scan3A_131, %mul3A_145 : i32
      %add3A_147 = arith.constant 1 : i32
      %add3A_148 = arith.addi %mul3A_146, %add3A_147 : i32
      %dma_wait3A_149 = arith.constant 0 : i32
      %dma_wait3A_150 = arith.constant 0 : i32
      %dma_wait3A_151 = tpu.memref_slice %arg16[%dma_wait3A_149, %dma_wait3A_150] : memref<2048x128xf32, #tpu.memory_space<vmem_shared>> -> memref<2048x128xf32, #tpu.memory_space<vmem_shared>>
      tpu.wait_indirect_dma semaphore(%arg14 : memref<!tpu.dma_semaphore, #tpu.memory_space<semaphore_mem>>) src(%dma_wait3A_151 : memref<2048x128xf32, #tpu.memory_space<vmem_shared>>) dst(%arg8 : memref<48x128xf32, #tpu.memory_space<vmem>>)
      %add3A_152 = arith.constant 2 : i32
      %add3A_153 = arith.addi %add3A_148, %add3A_152 : i32
      %lt3A_154 = arith.constant 210 : i32
      %lt3A_155 = arith.cmpi slt, %add3A_153, %lt3A_154 : i32
      %convert_element_type3A_156 = arith.extui %lt3A_155 : i1 to i32
      %cond3A_157 = arith.constant 0 : i32
      %cond3A_158 = arith.cmpi ne, %convert_element_type3A_156, %cond3A_157 : i32
      scf.if %cond3A_158 {
        %add3A_159 = arith.constant 2 : i32
        %add3A_160 = arith.addi %add3A_148, %add3A_159 : i32
        %mul3A_161 = arith.constant 48 : i32
        %mul3A_162 = arith.muli %add3A_160, %mul3A_161 : i32
        %add3A_163 = arith.constant 0 : i32
        %add3A_164 = arith.addi %mul3A_162, %add3A_163 : i32
        %get3A_165 = arith.index_cast %add3A_164 : i32 to index
        %get3A_166 = tpu.vector_load %arg6[%get3A_165] {strides = array<i32>} : memref<10080xi32, #tpu.memory_space<vmem>>, vector<16xi32>,
        %get3A_167 = vector.shape_cast %get3A_166 : vector<16xi32> to vector<16xi32>
        %and3A_168 = arith.constant 2047 : i32
        %and3A_169 = vector.broadcast %and3A_168 : i32 to vector<16xi32>
        %and3A_170 = arith.andi %get3A_167, %and3A_169 : vector<16xi32>
        %swap3A_171 = arith.constant 0 : index
        %swap3A_172 = tpu.vector_load %arg10[%swap3A_171] {strides = array<i32>} : memref<48xi32, #tpu.memory_space<vmem>>, vector<16xi32>,
        %swap3A_173 = vector.shape_cast %swap3A_172 : vector<16xi32> to vector<16xi32>
        %swap3A_174 = vector.shape_cast %and3A_170 : vector<16xi32> to vector<16xi32>
        tpu.vector_store %arg10[%swap3A_171], %swap3A_174 {strides = array<i32>} : memref<48xi32, #tpu.memory_space<vmem>>, vector<16xi32>,
        %shift_right_logical3A_175 = arith.constant 16 : i32
        %shift_right_logical3A_176 = vector.broadcast %shift_right_logical3A_175 : i32 to vector<16xi32>
        %shift_right_logical3A_177 = arith.shrui %get3A_167, %shift_right_logical3A_176 : vector<16xi32>
        %swap3A_178 = arith.constant 0 : index
        %swap3A_179 = tpu.vector_load %arg12[%swap3A_178] {strides = array<i32>} : memref<48xi32, #tpu.memory_space<vmem>>, vector<16xi32>,
        %swap3A_180 = vector.shape_cast %swap3A_179 : vector<16xi32> to vector<16xi32>
        %swap3A_181 = vector.shape_cast %shift_right_logical3A_177 : vector<16xi32> to vector<16xi32>
        tpu.vector_store %arg12[%swap3A_178], %swap3A_181 {strides = array<i32>} : memref<48xi32, #tpu.memory_space<vmem>>, vector<16xi32>,
        %mul3A_182 = arith.constant 48 : i32
        %mul3A_183 = arith.muli %add3A_160, %mul3A_182 : i32
        %add3A_184 = arith.constant 16 : i32
        %add3A_185 = arith.addi %mul3A_183, %add3A_184 : i32
        %get3A_186 = arith.index_cast %add3A_185 : i32 to index
        %get3A_187 = tpu.vector_load %arg6[%get3A_186] {strides = array<i32>} : memref<10080xi32, #tpu.memory_space<vmem>>, vector<16xi32>,
        %get3A_188 = vector.shape_cast %get3A_187 : vector<16xi32> to vector<16xi32>
        %and3A_189 = arith.constant 2047 : i32
        %and3A_190 = vector.broadcast %and3A_189 : i32 to vector<16xi32>
        %and3A_191 = arith.andi %get3A_188, %and3A_190 : vector<16xi32>
        %swap3A_192 = arith.constant 16 : index
        %swap3A_193 = tpu.vector_load %arg10[%swap3A_192] {strides = array<i32>} : memref<48xi32, #tpu.memory_space<vmem>>, vector<16xi32>,
        %swap3A_194 = vector.shape_cast %swap3A_193 : vector<16xi32> to vector<16xi32>
        %swap3A_195 = vector.shape_cast %and3A_191 : vector<16xi32> to vector<16xi32>
        tpu.vector_store %arg10[%swap3A_192], %swap3A_195 {strides = array<i32>} : memref<48xi32, #tpu.memory_space<vmem>>, vector<16xi32>,
        %shift_right_logical3A_196 = arith.constant 16 : i32
        %shift_right_logical3A_197 = vector.broadcast %shift_right_logical3A_196 : i32 to vector<16xi32>
        %shift_right_logical3A_198 = arith.shrui %get3A_188, %shift_right_logical3A_197 : vector<16xi32>
        %swap3A_199 = arith.constant 16 : index
        %swap3A_200 = tpu.vector_load %arg12[%swap3A_199] {strides = array<i32>} : memref<48xi32, #tpu.memory_space<vmem>>, vector<16xi32>,
        %swap3A_201 = vector.shape_cast %swap3A_200 : vector<16xi32> to vector<16xi32>
        %swap3A_202 = vector.shape_cast %shift_right_logical3A_198 : vector<16xi32> to vector<16xi32>
        tpu.vector_store %arg12[%swap3A_199], %swap3A_202 {strides = array<i32>} : memref<48xi32, #tpu.memory_space<vmem>>, vector<16xi32>,
        %mul3A_203 = arith.constant 48 : i32
        %mul3A_204 = arith.muli %add3A_160, %mul3A_203 : i32
        %add3A_205 = arith.constant 32 : i32
        %add3A_206 = arith.addi %mul3A_204, %add3A_205 : i32
        %get3A_207 = arith.index_cast %add3A_206 : i32 to index
        %get3A_208 = tpu.vector_load %arg6[%get3A_207] {strides = array<i32>} : memref<10080xi32, #tpu.memory_space<vmem>>, vector<16xi32>,
        %get3A_209 = vector.shape_cast %get3A_208 : vector<16xi32> to vector<16xi32>
        %and3A_210 = arith.constant 2047 : i32
        %and3A_211 = vector.broadcast %and3A_210 : i32 to vector<16xi32>
        %and3A_212 = arith.andi %get3A_209, %and3A_211 : vector<16xi32>
        %swap3A_213 = arith.constant 32 : index
        %swap3A_214 = tpu.vector_load %arg10[%swap3A_213] {strides = array<i32>} : memref<48xi32, #tpu.memory_space<vmem>>, vector<16xi32>,
        %swap3A_215 = vector.shape_cast %swap3A_214 : vector<16xi32> to vector<16xi32>
        %swap3A_216 = vector.shape_cast %and3A_212 : vector<16xi32> to vector<16xi32>
        tpu.vector_store %arg10[%swap3A_213], %swap3A_216 {strides = array<i32>} : memref<48xi32, #tpu.memory_space<vmem>>, vector<16xi32>,
        %shift_right_logical3A_217 = arith.constant 16 : i32
        %shift_right_logical3A_218 = vector.broadcast %shift_right_logical3A_217 : i32 to vector<16xi32>
        %shift_right_logical3A_219 = arith.shrui %get3A_209, %shift_right_logical3A_218 : vector<16xi32>
        %swap3A_220 = arith.constant 32 : index
        %swap3A_221 = tpu.vector_load %arg12[%swap3A_220] {strides = array<i32>} : memref<48xi32, #tpu.memory_space<vmem>>, vector<16xi32>,
        %swap3A_222 = vector.shape_cast %swap3A_221 : vector<16xi32> to vector<16xi32>
        %swap3A_223 = vector.shape_cast %shift_right_logical3A_219 : vector<16xi32> to vector<16xi32>
        tpu.vector_store %arg12[%swap3A_220], %swap3A_223 {strides = array<i32>} : memref<48xi32, #tpu.memory_space<vmem>>, vector<16xi32>,
        %dma_start3A_224 = arith.constant 0 : i32
        %dma_start3A_225 = arith.constant 0 : i32
        %dma_start3A_226 = tpu.memref_slice %arg16[%dma_start3A_224, %dma_start3A_225] : memref<2048x128xf32, #tpu.memory_space<vmem_shared>> -> memref<2048x128xf32, #tpu.memory_space<vmem_shared>>
        tpu.enqueue_indirect_dma source(%dma_start3A_226 : memref<2048x128xf32, #tpu.memory_space<vmem_shared>>) target(%arg8 : memref<48x128xf32, #tpu.memory_space<vmem>>) offsets(%arg10 : memref<48xi32, #tpu.memory_space<vmem>>) semaphore(%arg14 : memref<!tpu.dma_semaphore, #tpu.memory_space<semaphore_mem>>)
      } else {
      }
    }
    %scan3A_119 = arith.constant 105 : i32
    %barrier3A_120 = arith.constant 0 : index
    tpu.barrier barrier_id(%barrier3A_120)
    %lt3A_121 = arith.constant 15 : i32
    %lt3A_122 = arith.cmpi slt, %arg1, %lt3A_121 : i32
    %convert_element_type3A_123 = arith.extui %lt3A_122 : i1 to i32
    %cond3A_124 = arith.constant 0 : i32
    %cond3A_125 = arith.cmpi ne, %convert_element_type3A_123, %cond3A_124 : i32
    scf.if %cond3A_125 {
      %mul3A_131 = arith.constant 632 : i32
      %mul3A_132 = arith.muli %arg1, %mul3A_131 : i32
      %multiple_of3A_133 = tpu.assume_multiple %mul3A_132, 8 : i32
      "tpu.region"() ({
        %run_scoped3A = tpu.sem_alloc : memref<!tpu.dma_semaphore, #tpu.memory_space<semaphore_mem>>
        %dma_start3A_134 = arith.constant 0 : i32
        %dma_start3A_135 = tpu.memref_slice %arg5[%arg0, %multiple_of3A_133, %dma_start3A_134] : memref<2x10000x128xf32, #tpu.memory_space<hbm>> -> memref<1x632x128xf32, #tpu.memory_space<hbm>>
        %dma_start3A_136 = tpu.memref_squeeze %dma_start3A_135 : memref<1x632x128xf32, #tpu.memory_space<hbm>> -> memref<632x128xf32, #tpu.memory_space<hbm>>
        %dma_start3A_137 = arith.constant 0 : i32
        %dma_start3A_138 = tpu.memref_slice %arg15[%multiple_of3A_133, %dma_start3A_137] : memref<10128x128xf32, #tpu.memory_space<vmem_shared>> -> memref<632x128xf32, #tpu.memory_space<vmem_shared>>
        tpu.enqueue_dma source(%dma_start3A_138 : memref<632x128xf32, #tpu.memory_space<vmem_shared>>) target(%dma_start3A_136 : memref<632x128xf32, #tpu.memory_space<hbm>>) target_semaphore(%run_scoped3A : memref<!tpu.dma_semaphore, #tpu.memory_space<semaphore_mem>>)
        %dma_wait3A = arith.constant 0 : i32
        %dma_wait3A_139 = tpu.memref_slice %arg5[%arg0, %multiple_of3A_133, %dma_wait3A] : memref<2x10000x128xf32, #tpu.memory_space<hbm>> -> memref<1x632x128xf32, #tpu.memory_space<hbm>>
        %dma_wait3A_140 = tpu.memref_squeeze %dma_wait3A_139 : memref<1x632x128xf32, #tpu.memory_space<hbm>> -> memref<632x128xf32, #tpu.memory_space<hbm>>
        %dma_wait3A_141 = arith.constant 0 : i32
        %dma_wait3A_142 = tpu.memref_slice %arg15[%multiple_of3A_133, %dma_wait3A_141] : memref<10128x128xf32, #tpu.memory_space<vmem_shared>> -> memref<632x128xf32, #tpu.memory_space<vmem_shared>>
        tpu.wait_dma2 semaphore(%run_scoped3A : memref<!tpu.dma_semaphore, #tpu.memory_space<semaphore_mem>>) src(%dma_wait3A_142 : memref<632x128xf32, #tpu.memory_space<vmem_shared>>) dst(%dma_wait3A_140 : memref<632x128xf32, #tpu.memory_space<hbm>>)
        tpu.yield
      }) : () -> ()
    } else {
    }
    %eq3A_126 = arith.constant 15 : i32
    %eq3A_127 = arith.cmpi eq, %arg1, %eq3A_126 : i32
    %convert_element_type3A_128 = arith.extui %eq3A_127 : i1 to i32
    %cond3A_129 = arith.constant 0 : i32
    %cond3A_130 = arith.cmpi ne, %convert_element_type3A_128, %cond3A_129 : i32
    scf.if %cond3A_130 {
      "tpu.region"() ({
        %run_scoped3A = tpu.sem_alloc : memref<!tpu.dma_semaphore, #tpu.memory_space<semaphore_mem>>
        %dma_start3A_131 = arith.constant 9480 : i32
        %dma_start3A_132 = arith.constant 0 : i32
        %dma_start3A_133 = tpu.memref_slice %arg5[%arg0, %dma_start3A_131, %dma_start3A_132] : memref<2x10000x128xf32, #tpu.memory_space<hbm>> -> memref<1x520x128xf32, #tpu.memory_space<hbm>>
        %dma_start3A_134 = tpu.memref_squeeze %dma_start3A_133 : memref<1x520x128xf32, #tpu.memory_space<hbm>> -> memref<520x128xf32, #tpu.memory_space<hbm>>
        %dma_start3A_135 = arith.constant 9480 : i32
        %dma_start3A_136 = arith.constant 0 : i32
        %dma_start3A_137 = tpu.memref_slice %arg15[%dma_start3A_135, %dma_start3A_136] : memref<10128x128xf32, #tpu.memory_space<vmem_shared>> -> memref<520x128xf32, #tpu.memory_space<vmem_shared>>
        tpu.enqueue_dma source(%dma_start3A_137 : memref<520x128xf32, #tpu.memory_space<vmem_shared>>) target(%dma_start3A_134 : memref<520x128xf32, #tpu.memory_space<hbm>>) target_semaphore(%run_scoped3A : memref<!tpu.dma_semaphore, #tpu.memory_space<semaphore_mem>>)
        %dma_wait3A = arith.constant 9480 : i32
        %dma_wait3A_138 = arith.constant 0 : i32
        %dma_wait3A_139 = tpu.memref_slice %arg5[%arg0, %dma_wait3A, %dma_wait3A_138] : memref<2x10000x128xf32, #tpu.memory_space<hbm>> -> memref<1x520x128xf32, #tpu.memory_space<hbm>>
        %dma_wait3A_140 = tpu.memref_squeeze %dma_wait3A_139 : memref<1x520x128xf32, #tpu.memory_space<hbm>> -> memref<520x128xf32, #tpu.memory_space<hbm>>
        %dma_wait3A_141 = arith.constant 9480 : i32
        %dma_wait3A_142 = arith.constant 0 : i32
        %dma_wait3A_143 = tpu.memref_slice %arg15[%dma_wait3A_141, %dma_wait3A_142] : memref<10128x128xf32, #tpu.memory_space<vmem_shared>> -> memref<520x128xf32, #tpu.memory_space<vmem_shared>>
        tpu.wait_dma2 semaphore(%run_scoped3A : memref<!tpu.dma_semaphore, #tpu.memory_space<semaphore_mem>>) src(%dma_wait3A_143 : memref<520x128xf32, #tpu.memory_space<vmem_shared>>) dst(%dma_wait3A_140 : memref<520x128xf32, #tpu.memory_space<hbm>>)
        tpu.yield
      }) : () -> ()
    } else {
    }
    return
  }
}

module attributes {stable_mosaic.version = 14 : i64} {
  func.func @_mlp_body(%arg0: i32, %arg1: memref<1000x128xf32, #tpu.memory_space<vmem>>, %arg2: memref<1000x128xf32, #tpu.memory_space<vmem>>, %arg3: memref<1000x128xf32, #tpu.memory_space<vmem>>, %arg4: memref<128x128xf32, #tpu.memory_space<vmem>>, %arg5: memref<1x128xf32, #tpu.memory_space<vmem>>, %arg6: memref<128x128xf32, #tpu.memory_space<vmem>>, %arg7: memref<1x128xf32, #tpu.memory_space<vmem>>, %arg8: memref<1000x128xf32, #tpu.memory_space<vmem>>) attributes {dimension_semantics = [#tpu.dimension_semantics<arbitrary>], iteration_bounds = array<i64: 10>, scalar_prefetch = 0 : i64, scratch_operands = 0 : i64, tpu.core_type = #tpu.core_type<tc>, window_params = [{transform_indices = @transform_0, window_bounds = array<i64: 1000, 128>}, {transform_indices = @transform_1, window_bounds = array<i64: 1000, 128>}, {transform_indices = @transform_2, window_bounds = array<i64: 1000, 128>}, {pipeline_mode = #tpu.pipeline_mode<synchronous>, transform_indices = @transform_3, window_bounds = array<i64: 128, 128>}, {pipeline_mode = #tpu.pipeline_mode<synchronous>, transform_indices = @transform_4, window_bounds = array<i64: 1, 128>}, {pipeline_mode = #tpu.pipeline_mode<synchronous>, transform_indices = @transform_5, window_bounds = array<i64: 128, 128>}, {pipeline_mode = #tpu.pipeline_mode<synchronous>, transform_indices = @transform_6, window_bounds = array<i64: 1, 128>}, {transform_indices = @transform_7, window_bounds = array<i64: 1000, 128>}]} {
    %get3A = arith.constant 0 : index
    %get3A_0 = arith.constant 0 : index
    %get3A_1 = vector.load %arg1[%get3A, %get3A_0] : memref<1000x128xf32, #tpu.memory_space<vmem>>, vector<1000x128xf32>
    %get3A_2 = arith.constant 0 : index
    %get3A_3 = arith.constant 0 : index
    %get3A_4 = vector.load %arg2[%get3A_2, %get3A_3] : memref<1000x128xf32, #tpu.memory_space<vmem>>, vector<1000x128xf32>
    %add3A = arith.addf %get3A_1, %get3A_4 : vector<1000x128xf32>
    %get3A_5 = arith.constant 0 : index
    %get3A_6 = arith.constant 0 : index
    %get3A_7 = vector.load %arg3[%get3A_5, %get3A_6] : memref<1000x128xf32, #tpu.memory_space<vmem>>, vector<1000x128xf32>
    %sub3A = arith.subf %add3A, %get3A_7 : vector<1000x128xf32>
    %get3A_8 = arith.constant 0 : index
    %get3A_9 = arith.constant 0 : index
    %get3A_10 = vector.load %arg4[%get3A_8, %get3A_9] : memref<128x128xf32, #tpu.memory_space<vmem>>, vector<128x128xf32>
    %dot_general3A = arith.constant dense<0.000000e+00> : vector<1000x128xf32>
    %dot_general3A_11 = tpu.matmul %sub3A, %get3A_10, %dot_general3A {dimension_numbers = #tpu.dot_dimension_numbers<[1], [0], [0], [1], [0, 0, 1, 1], [], []>, precision = #tpu.contract_precision<fp32>, transpose_lhs_hint = false} : vector<1000x128xf32>, vector<128x128xf32>, vector<1000x128xf32> -> vector<1000x128xf32>
    %get3A_12 = arith.constant 0 : index
    %get3A_13 = arith.constant 0 : index
    %get3A_14 = vector.load %arg5[%get3A_12, %get3A_13] : memref<1x128xf32, #tpu.memory_space<vmem>>, vector<1x128xf32>
    %add3A_15 = vector.broadcast %get3A_14 : vector<1x128xf32> to vector<1000x128xf32>
    %add3A_16 = arith.addf %dot_general3A_11, %add3A_15 : vector<1000x128xf32>
    %get3A_17 = arith.constant 0 : index
    %get3A_18 = arith.constant 0 : index
    %get3A_19 = vector.load %arg6[%get3A_17, %get3A_18] : memref<128x128xf32, #tpu.memory_space<vmem>>, vector<128x128xf32>
    %dot_general3A_20 = arith.constant dense<0.000000e+00> : vector<1000x128xf32>
    %dot_general3A_21 = tpu.matmul %add3A_16, %get3A_19, %dot_general3A_20 {dimension_numbers = #tpu.dot_dimension_numbers<[1], [0], [0], [1], [0, 0, 1, 1], [], []>, precision = #tpu.contract_precision<fp32>, transpose_lhs_hint = false} : vector<1000x128xf32>, vector<128x128xf32>, vector<1000x128xf32> -> vector<1000x128xf32>
    %get3A_22 = arith.constant 0 : index
    %get3A_23 = arith.constant 0 : index
    %get3A_24 = vector.load %arg7[%get3A_22, %get3A_23] : memref<1x128xf32, #tpu.memory_space<vmem>>, vector<1x128xf32>
    %add3A_25 = vector.broadcast %get3A_24 : vector<1x128xf32> to vector<1000x128xf32>
    %add3A_26 = arith.addf %dot_general3A_21, %add3A_25 : vector<1000x128xf32>
    %max3A = arith.constant 0.000000e+00 : f32
    %max3A_27 = vector.broadcast %max3A : f32 to vector<1000x128xf32>
    %max3A_28 = arith.maximumf %add3A_26, %max3A_27 : vector<1000x128xf32>
    %swap3A = arith.constant 0 : index
    %swap3A_29 = arith.constant 0 : index
    %swap3A_30 = vector.load %arg8[%swap3A, %swap3A_29] : memref<1000x128xf32, #tpu.memory_space<vmem>>, vector<1000x128xf32>
    tpu.vector_store %arg8[%swap3A, %swap3A_29], %max3A_28 {strides = array<i32>} : memref<1000x128xf32, #tpu.memory_space<vmem>>, vector<1000x128xf32>,
    return
  }
  func.func @transform_0(%arg0: i32) -> (i32, i32) {
    %c0_i32 = arith.constant 0 : i32
    %c0_i32_0 = arith.constant 0 : i32
    return %arg0, %c0_i32 : i32, i32
  }
  func.func @transform_1(%arg0: i32) -> (i32, i32) {
    %c0_i32 = arith.constant 0 : i32
    %c0_i32_0 = arith.constant 0 : i32
    return %arg0, %c0_i32 : i32, i32
  }
  func.func @transform_2(%arg0: i32) -> (i32, i32) {
    %c0_i32 = arith.constant 0 : i32
    %c0_i32_0 = arith.constant 0 : i32
    return %arg0, %c0_i32 : i32, i32
  }
  func.func @transform_3(%arg0: i32) -> (i32, i32) {
    %c0_i32 = arith.constant 0 : i32
    %c0_i32_0 = arith.constant 0 : i32
    %c0_i32_1 = arith.constant 0 : i32
    return %c0_i32, %c0_i32_0 : i32, i32
  }
  func.func @transform_4(%arg0: i32) -> (i32, i32) {
    %c0_i32 = arith.constant 0 : i32
    %c0_i32_0 = arith.constant 0 : i32
    %c0_i32_1 = arith.constant 0 : i32
    return %c0_i32, %c0_i32_0 : i32, i32
  }
  func.func @transform_5(%arg0: i32) -> (i32, i32) {
    %c0_i32 = arith.constant 0 : i32
    %c0_i32_0 = arith.constant 0 : i32
    %c0_i32_1 = arith.constant 0 : i32
    return %c0_i32, %c0_i32_0 : i32, i32
  }
  func.func @transform_6(%arg0: i32) -> (i32, i32) {
    %c0_i32 = arith.constant 0 : i32
    %c0_i32_0 = arith.constant 0 : i32
    %c0_i32_1 = arith.constant 0 : i32
    return %c0_i32, %c0_i32_0 : i32, i32
  }
  func.func @transform_7(%arg0: i32) -> (i32, i32) {
    %c0_i32 = arith.constant 0 : i32
    %c0_i32_0 = arith.constant 0 : i32
    return %arg0, %c0_i32 : i32, i32
  }
}

</mosaic_0001>

<sc_bundles>
// kernel: kernel.4.cloned.1.call-start
scs
__scs_entry_jumppad:
0x0: {  	(pc) =	sbr.rel $0x88, $3  }
0x1: {  	(tag) =	ssettag $0x0;
	lr =	simm.s32 $0x1  }
0x2: {  	[smem:$0x3F9A] =	sst lr;
	_ =	strace $0xD0000000  }
0x3: {  	_ = 	snop  }
0x4: {  	_ = 	snop  }
0x5: {  	_ = 	snop  }
0x6: {  	_ = 	snop  }
0x7: {  	_ = 	snop  }
__scs_overlays_trampoline_lowered:
0x8: {  	[smem:$0x3FA9] =	sst s0  }
0x9: {  	[smem:$0x3FAA] =	sst s1  }
0xa: {  	[smem:$0x3FAB] =	sst s2  }
0xb: {  	[smem:$0x3FAC] =	sst s3  }
0xc: {  	[smem:$0x3FAD] =	sst s4  }
0xd: {  	[smem:$0x3FAE] =	sst s5  }
0xe: {  	[smem:$0x3FAF] =	sst s6  }
0xf: {  	[smem:$0x3FB0] =	sst s7  }
0x10: {  	[smem:$0x3FB1] =	sst s8  }
0x11: {  	[smem:$0x3FB2] =	sst s9;
	s0 =	simm.s32 @!p0 $0x0  }
0x12: {  	s1 =	sld [smem:$0x3F98];
	s0 =	simm.s32 @p0 $0x1  }
0x13: {  	[smem:$0x3FB3] =	sst s0;
	s0 =	simm.s32 @!p1 $0x0  }
0x14: {  	s2 =	sld [smem:$0x3F97];
	s0 =	simm.s32 @p1 $0x1  }
0x15: {  	[smem:$0x3FB4] =	sst s0;
	s0 =	simm.s32 @!p2 $0x0  }
0x16: {  	s3 =	sld [smem:$0x3FDB];
	s0 =	simm.s32 @p2 $0x1  }
0x17: {  	s4 =	simm.s32 $0x1BF5;
	[smem:$0x3FB6] =	sst s0  }
0x18: {  	s0 =	sld [smem:$0x3F99];
	_ =	swait.ge [sflag:s4], $0x0  }
0x19: {  	s7 =	sld [smem:$0x3F9A]  }
0x1a: {  	s8 =	sadd.s32 $0xFFFFE003, lr  }
0x1b: {  	s9 =	sadd.s32 $0xFFFFFEF7, lr;
	s5 =	simm.s32 $0xFFFFFFFF;
	p2 =	slt.u32 s8, $0xFFFFF086  }
0x1c: {  	p1 =	slt.u32 s9, $0xF7A;
	s5 =	simm.s32 @!p2 $0x0  }
0x1d: {  	s5 =	simm.s32 @p1 $0x1;
	p0 =	seq.s32 s7, s2  }
0x1e: {  	s7 =	smul.u32 @!p0 $0xF7A, s2;
	p2 =	seq.s32 @!p0 s5, $0x0  }
0x1f: {  	s9 =	smul.u32 $0xF7A, s1;
	s8 =	simm.s32 @!p0 $0x1BF5;
	p2 =	por !p2, p0  }
0x20: {  	[sflag:s8] =	ssyncset.s32 @!p0 $0xFFFFF086;
	s6 =	sadd.s32 @!p0 s3, s7;
	s7 =	simm.s32 @!p0 $0x108  }
0x21: {  	s3 =	sadd.s32 s3, s9;
	s6 =	sadd.s32 @!p0 $0x88, s6;
	s7 =	simm.s32 @p2 $0x1082  }
0x22: {  	[simem:s7], [sflag:s8] =	dma.local @!p0 [hbm:s6], $0xF7A  }
0x23: {  	s9 =	sor.u32 $0xD0000000, s2;
	s6 =	simm.s32 $0x108;
	_ =	swait.ge @!p0 [sflag:s8], $0x0  }
0x24: {  	s3 =	sadd.s32 $0x88, s3;
	s6 =	simm.s32 @!p1 $0x1082;
	[sflag:s4] =	ssyncset.s32 $0xFFFFF086  }
0x25: {  	[simem:s6], [sflag:s4] =	dma.local [hbm:s3], $0xF7A  }
0x26: {  	[smem:$0x3F9A] =	sst s1;
	(tag) =	ssettag s2;
	_ =	strace s9  }
0x27: {  	s1 =	sld [smem:$0x3FAA]  }
0x28: {  	s2 =	sld [smem:$0x3FAB]  }
0x29: {  	s4 =	sld [smem:$0x3FAD]  }
0x2a: {  	p0 =	seq.s32 s5, $0x0;
	s5 =	sld [smem:$0x3FAE]  }
0x2b: {  	s6 =	sld [smem:$0x3FAF]  }
0x2c: {  	s7 =	sld [smem:$0x3FB0]  }
0x2d: {  	s3 =	simm.s32 $0x108;
	s8 =	sld [smem:$0x3FB1]  }
0x2e: {  	s3 =	simm.s32 @!p0 $0x1082;
	s9 =	sld [smem:$0x3FB2]  }
0x2f: {  	lr =	sadd.s32 s0, s3;
	s0 =	sld [smem:$0x3FA9]  }
0x30: {  	s3 =	sld [smem:$0x3FAC]  }
0x31: {  	[smem:$0x3FB5] =	sst s10  }
0x32: {  	s10 =	sld [smem:$0x3FB3];
	_ =	sdelay $0x3  }
0x33: {  	p0 =	seq.s32 s10, $0x1;
	s10 =	sld [smem:$0x3FB5];
	_ =	sdelay $0x3  }
0x34: {  	[smem:$0x3FB5] =	sst s10  }
0x35: {  	s10 =	sld [smem:$0x3FB4];
	_ =	sdelay $0x3  }
0x36: {  	p1 =	seq.s32 s10, $0x1;
	s10 =	sld [smem:$0x3FB5];
	_ =	sdelay $0x3  }
0x37: {  	[smem:$0x3FB5] =	sst s10  }
0x38: {  	s10 =	sld [smem:$0x3FB6]  }
0x39: {  	_ = 	snop;
	(pc) =	sbr.ind lr, $3  }
0x3a: {  	_ = 	snop  }
0x3b: {  	_ = 	snop  }
0x3c: {  	p2 =	seq.s32 s10, $0x1;
	s10 =	sld [smem:$0x3FB5]  }
0x3d: {  	_ =	shalt  }
0x3e: {  	_ =	shalt  }
0x3f: {  	_ =	shalt  }
0x40: {  	_ =	shalt  }
0x41: {  	_ =	shalt  }
0x42: {  	_ =	shalt  }
0x43: {  	_ =	shalt  }
0x44: {  	_ =	shalt  }
0x45: {  	_ =	shalt  }
0x46: {  	_ =	shalt  }
0x47: {  	_ =	shalt  }
0x48: {  	_ =	shalt  }
0x49: {  	_ =	shalt  }
0x4a: {  	_ =	shalt  }
0x4b: {  	_ =	shalt  }
0x4c: {  	_ =	shalt  }
0x4d: {  	_ =	shalt  }
0x4e: {  	_ =	shalt  }
0x4f: {  	_ =	shalt  }
0x50: {  	_ =	shalt  }
0x51: {  	_ =	shalt  }
0x52: {  	_ =	shalt  }
0x53: {  	_ =	shalt  }
0x54: {  	_ =	shalt  }
0x55: {  	_ =	shalt  }
0x56: {  	_ =	shalt  }
0x57: {  	_ =	shalt  }
0x58: {  	_ =	shalt  }
0x59: {  	_ =	shalt  }
0x5a: {  	_ =	shalt  }
0x5b: {  	_ =	shalt  }
0x5c: {  	_ =	shalt  }
0x5d: {  	_ =	shalt  }
0x5e: {  	_ =	shalt  }
0x5f: {  	_ =	shalt  }
0x60: {  	_ =	shalt  }
0x61: {  	_ =	shalt  }
0x62: {  	_ =	shalt  }
0x63: {  	_ =	shalt  }
0x64: {  	_ =	shalt  }
0x65: {  	_ =	shalt  }
0x66: {  	_ =	shalt  }
0x67: {  	_ =	shalt  }
0x68: {  	_ =	shalt  }
0x69: {  	_ =	shalt  }
0x6a: {  	_ =	shalt  }
0x6b: {  	_ =	shalt  }
0x6c: {  	_ =	shalt  }
0x6d: {  	_ =	shalt  }
0x6e: {  	_ =	shalt  }
0x6f: {  	_ =	shalt  }
0x70: {  	_ =	shalt  }
0x71: {  	_ =	shalt  }
0x72: {  	_ =	shalt  }
0x73: {  	_ =	shalt  }
0x74: {  	_ =	shalt  }
0x75: {  	_ =	shalt  }
0x76: {  	_ =	shalt  }
0x77: {  	_ =	shalt  }
0x78: {  	_ =	shalt  }
0x79: {  	_ =	shalt  }
0x7a: {  	_ =	shalt  }
0x7b: {  	_ =	shalt  }
0x7c: {  	_ =	shalt  }
0x7d: {  	_ =	shalt  }
0x7e: {  	_ =	shalt  }
0x7f: {  	_ =	shalt  }
0x80: {  	_ =	shalt  }
0x81: {  	_ =	shalt  }
0x82: {  	_ =	shalt  }
0x83: {  	_ =	shalt  }
0x84: {  	_ =	shalt  }
0x85: {  	_ =	shalt  }
0x86: {  	_ =	shalt  }
0x87: {  	_ =	shalt  }
.Lfunc_end0:
.L_simem_size_0:
called_computation_lowered:
.L_overlay_start_0:
0x88: {  	s2 =	sld [smem:$0x3FD9]  }
0x89: {  	s3 =	sld [smem:$0x3FFE];
	_ =	sdelay $0x1  }
0x8a: {  	s1 =	srdreg.scid  }
0x8b: {  	s0 =	sand.u32 $0x1, s1  }
0x8c: {  	s17 =	sshll.u32 s0, $0xA;
	s2 =	sadd.s32 s3, s2  }
0x8d: {  	s2 =	sadd.s32 s2, s17  }
0x8e: {  	[smem:$0x3FC1] =	sst s2  }
0x8f: {  	_ = 	snop  }
0x90: {  	s2 =	sld [smem:$0x3FC9]  }
0x91: {  	s18 =	sld [smem:$0x3FD0];
	(tm) =	ssettm $0x1  }
0x92: {  	s4 =	sld [smem:$0x3FFB];
	_ =	sdelay $0x3  }
0x93: {  	_ =	strace s4  }
0x94: {  	s4 =	sld [smem:$0x3FFC];
	_ =	sdelay $0x3  }
0x95: {  	_ =	strace s4  }
0x96: {  	s4 =	sld [smem:$0x3FFD];
	_ =	sdelay $0x3  }
0x97: {  	_ =	strace s4  }
0x98: {  	_ =	strace $0x8FFFFFFF  }
0x99: {  	s19 =	sld [smem:$0x3FDB];
	_ =	sdelay $0x1  }
0x9a: {  	s5 =	simm.s32 $_scs_section_size  }
0x9b: {  	s6 =	simm.s32 $_size__tile_overlayer_lowered;
	s7 =	simm.s32 $_tile_overlayer_lowered  }
0x9c: {  	s22 =	simm.s32 $0x1BFF;
	s21 =	sshll.u32 s7, $0x1;
	s4 =	sadd.s32 s5, s19  }
0x9d: {  	s8 =	simm.s32 $0x0;
	s20 =	sshll.u32 s6, $0x1;
	s6 =	sadd.s32 s21, s4  }
0x9e: {  	[timem:s8], [sflag:s22] =	dma.local [hbm:s6], s20  }
0x9f: {  	_ =	swait.ge [sflag:s22], s20  }
0xa0: {  	s5 =	ssub.s32 $0x0, s20;
	[sflag:s22] =	ssyncset.done $0x0  }
0xa1: {  	[sflag:s22] =	ssyncadd.s32 s5;
	_ =	sdelay $0x1  }
0xa2: {  	s23 =	simm.s32 $0x1B8B  }
0xa3: {  	_ =	swait.ge [sflag:s23], $0x1  }
0xa4: {  	[sflag:s23] =	ssyncset.done $0x0  }
0xa5: {  	s25 =	simm.s32 $0x1B8E;
	s24 =	sld [smem:$0x3FFE];
	[sflag:s23] =	ssyncadd.s32 $0xFFFFFFFF  }
0xa6: {  	s26 =	simm.s32 $execute0_lowered;
	[smem:$0x3FD2] =	sst s25  }
0xa7: {  	s6 =	sshll.u32 s26, $0x1;
	_ =	strace $0x80000046;
	[dreg:$0x1] =	wrdreg $0xFFFFFFFF  }
0xa8: {  	s28 =	simm.s32 $_size_execute0_lowered;
	s4 =	sadd.s32 s4, s6;
	[dreg:$0x0] =	wrdreg $0x0  }
0xa9: {  	s6 =	sshll.u32 s28, $0x1;
	[dreg:$0x2] =	wrdreg s4  }
0xaa: {  	[dreg:$0x3] =	wrdreg s6  }
0xab: {  	[dreg:$0x4] =	wrdreg $0xC0  }
0xac: {  	_ =	task [dreg:s8], $0x5FFFF  }
0xad: {  	[dreg:$0x1] =	wrdreg $0xFFFFFFFF  }
0xae: {  	[dreg:$0x0] =	wrdreg $0x60  }
0xaf: {  	[dreg:$0x2] =	wrdreg s2  }
0xb0: {  	[dreg:$0x3] =	wrdreg s18  }
0xb1: {  	[dreg:$0x4] =	wrdreg s24  }
0xb2: {  	[dreg:$0x5] =	wrdreg $0x59800  }
0xb3: {  	[dreg:$0x6] =	wrdreg $0x196000  }
0xb4: {  	[dreg:$0x7] =	wrdreg $0x9  }
0xb5: {  	_ =	task.clear_ibuf [dreg:s8], $0x8FFFF;
	_ =	strace $0x90000046  }
0xb6: {  	s29 =	simm.s32 $0x9;
	_ =	strace $0x80000048  }
0xb7: {  	_ =	swait.ge [sflag:s29], $0x1  }
0xb8: {  	[sflag:s29] =	ssyncadd.s32 $0xFFFFFFFF  }
0xb9: {  	_ =	strace $0x90000048  }
0xba: {  	_ =	sfence  }
0xbb: {  	s30 =	sld [smem:$0x0];
	_ =	sdelay $0x2  }
0xbc: {  	s31 =	sshll.u32 s1, $0xD;
	s1 =	sshrl.u32 s1, $0x2  }
0xbd: {  	s3 =	sand.u32 $0x4000, s31;
	s1 =	sadd.s32 s1, s30  }
0xbe: {  	s0 =	sor.u32 s3, s0;
	s1 =	sshll.u32 s1, $0x11  }
0xbf: {  	s0 =	sor.u32 s1, s0  }
0xc0: {  	s0 =	sadd.s32 $0x8F2B, s0  }
0xc1: {  	[sflag:s0] =	ssyncadd.remote.s32 $0x1  }
0xc2: {  	_ =	sfence.sel $0xFFFF  }
0xc3: {  	[dreg:$0x0] =	wrdreg $0xFFFFFFFF;
	(pc) =	sbr.abs _section_cstart, $3  }
0xc4: {  	[dreg:$0x1] =	wrdreg $0xFFFFFFFF  }
0xc5: {  	_ =	task.clear_ibuf [dreg:s8], $0x2FFFF;
	_ =	strace $0x9FFFFFFF  }
0xc6: {  	(tm) =	ssettm $0x7FFFFFFF  }
0xc7: {  	_ =	shalt  }
tec
execute0_lowered:
.L_overlay_start_1:
0x0: {  	(tag) =	ssettag $0x1  }
0x1: {  	s7 =	rddreg [dreg:$0x0]  }
0x2: {  	s6 =	rddreg [dreg:$0x1]  }
0x3: {  	s4 =	rddreg [dreg:$0x2]  }
0x4: {  	s5 =	rddreg [dreg:$0x3]  }
0x5: {  	s1 =	rddreg [dreg:$0x4]  }
0x6: {  	s0 =	rddreg [dreg:$0x5];
	s2 =	simm.s32 $0x0  }
0x7: {  	s3 =	srdreg.scid;
	s16 =	simm.s32 $0x3;
	s19 =	simm.s32 $0x30  }
0x8: {  	s20 =	simm.s32 $0x5780;
	s8 =	sand.u32 $0x1, s3;
	s3 =	stileid.u32  }
0x9: {  	s21 =	simm.s32 $0x2780;
	[smem:$0x7FF] =	sst s2;
	s12 =	smul.u32 $0x4F000, s3  }
0xa: {  	s13 =	sadd.s32 $0x1800, s4;
	_ =	strace $0x80000047;
	s24 =	smul.u32 $0x2780, s3  }
0xb: {  	s9 =	ssub.s32 $0x2, s8;
	s11 =	sshll.u32 s8, $0x4;
	s8 =	smul.u32 $0x138800, s8  }
0xc: {  	s26 =	sshll.u32 s3, $0x7;
	s28 =	sshll.u32 s3, $0xE;
	s15 =	smul.u32 $0x13C00, s3  }
0xd: {  	s29 =	sshll.u32 s3, $0xB;
	p0 =	seq.s32 s3, $0xF;
	s17 =	sshll.u32 s3, $0x6  }
0xe: {  	s10 =	sshrl.u32 s9, $0x1;
	s22 =	sor.u32 s3, s11;
	s11 =	sadd.s32 $0x128400, s5  }
0xf: {  	s18 =	sadd.s32 s28, s1;
	s17 =	sor.u32 $0x1C03, s17;
	s10 =	ssub.s32 s9, s10  }
0x10: {  	s23 =	sshrl.u32 s12, $0x2;
	s4 =	sshrl.u32 s22, $0x3;
	s12 =	sand.u32 $0x380, s26  }
0x11: {  	s30 =	sadd.s32 s15, s8;
	s8 =	sshrl.u32 s8, $0x3;
	s11 =	sshrl.u32 @p0 s11, $0x3  }
0x12: {  	s15 =	simm.s32 $0x400;
	s18 =	sshrl.u32 s18, $0x3;
	s22 =	simm.s32 $0x5800  }
0x13: {  	s26 =	simm.s32 $0x0;
	s14 =	sadd.s32 s23, s5;
	s25 =	smul.u32 $0x13C00, s4  }
0x14: {  	s4 =	sadd.s32 s7, s24;
	s5 =	sadd.s32 $0x25080, s7;
	s7 =	sadd.s32 s7, s29  }
0x15: {  	s31 =	sadd.s32 s13, s8;
	s10 =	smax.u32 s10, $0x1;
	s9 =	sor.u32 s12, s25  }
0x16: {  	s23 =	simm.s32 $0x3F80;
	s24 =	simm.s32 $0x1;
	s9 =	sshrl.u32 s9, $0x3  }
0x17: {  	s12 =	sshll.u32 @!p0 s3, $0x6;
	s6 =	sadd.s32 s6, s9;
	s9 =	sshrl.u32 s30, $0x3  }
0x18: {  	s25 =	simm.s32 $0x2;
	s12 =	sor.u32 @!p0 $0x1C03, s12;
	s8 =	sadd.s32 s13, s9  }
0x19: {  	s9 =	sadd.s32 $0x25080, s31;
	s13 =	sshrl.u32 @!p0 s14, $0x3;
	s14 =	simm.s32 $0x80  }
.LBB2_1:
0x1a: {  	s28 =	simm.s32 @p0 $0x1FC3  }
0x1b: {  	[spmem:s11], [sflag:s28] =	dma.local @p0 [hbm:s5], $0x2080  }
0x1c: {  	s28 =	simm.s32 @p0 $0x3  }
0x1d: {  	_ =	swait.ge @p0 [sflag:s28], $0x2080  }
0x1e: {  	[sflag:s28] =	ssyncset.done @p0 $0x0  }
0x1f: {  	[sflag:s28] =	ssyncadd.s32 @p0 $0xFFFFDF80;
	s28 =	simm.s32 @!p0 $0x3  }
0x20: {  	[spmem:s13], [sflag:s12] =	dma.local @!p0 [hbm:s4], $0x2780  }
0x21: {  	_ =	swait.ge @!p0 [sflag:s28], $0x2780  }
0x22: {  	[sflag:s28] =	ssyncset.done @!p0 $0x0  }
0x23: {  	[sflag:s28] =	ssyncadd.s32 @!p0 $0xFFFFD880  }
0x24: {  	[tilespmem:s2], [sflag:$0x3] =	stream.strided.gather [hbm4b:s6+s14], $0x2780, s15, s14, $0x38;
	[tilespmem:$0x1D600] =	vst v63  }
0x25: {  	_ =	swait.ge [sflag:s16], $0x2780  }
0x26: {  	[sflag:s16] =	ssyncset.done $0x0  }
0x27: {  	[sflag:s16] =	ssyncadd.s32 $0xFFFFD880  }
0x28: {  	[spmem:s18], [sflag:s17] =	dma.local [hbm:s7], $0x800  }
0x29: {  	_ =	swait.ge [sflag:s16], $0x800  }
0x2a: {  	[sflag:s16] =	ssyncset.done $0x0  }
0x2b: {  	[sflag:s16] =	ssyncadd.s32 $0xFFFFF800  }
0x2c: {  	[bflag:$0x0] =	sbarrier.arrive $0xFFFF  }
0x2d: {  	v0 =	vld [tilespmem:$0x0];
	_ =	sdelay $0x1  }
0x2e: {  	v1 =	vld [tilespmem:$0x10];
	_ =	sdelay $0x1  }
0x2f: {  	v2 =	vld [tilespmem:$0x20]  }
0x30: {  	v3 =	vand.u32 $0x7FF, v0  }
0x31: {  	v0 =	vshrl.u32 v0, $0x10;
	[tilespmem:$0x5780] =	vst v3  }
0x32: {  	[tilespmem:$0x5880] =	vst v0;
	v0 =	vand.u32 $0x7FF, v1  }
0x33: {  	[tilespmem:$0x5790] =	vst v0;
	v0 =	vshrl.u32 v1, $0x10  }
0x34: {  	[tilespmem:$0x5890] =	vst v0;
	v0 =	vand.u32 $0x7FF, v2  }
0x35: {  	[tilespmem:$0x57A0] =	vst v0;
	v0 =	vshrl.u32 v2, $0x10  }
0x36: {  	[tilespmem:$0x58A0] =	vst v0  }
0x37: {  	[tilespmem:s21], [sflag:$0x1] =	stream.indirect.gather [spmem:s1], $0x80, s20, s19, $0xb8;
	[tilespmem:$0x1D600] =	vst v63  }
0x38: {  	v0 =	vld [tilespmem:$0x30];
	_ =	sdelay $0x1  }
0x39: {  	v1 =	vld [tilespmem:$0x40];
	_ =	sdelay $0x1  }
0x3a: {  	v2 =	vld [tilespmem:$0x50]  }
0x3b: {  	v3 =	vand.u32 $0x7FF, v0  }
0x3c: {  	v0 =	vshrl.u32 v0, $0x10;
	[tilespmem:$0x5800] =	vst v3  }
0x3d: {  	[tilespmem:$0x5900] =	vst v0;
	v0 =	vand.u32 $0x7FF, v1  }
0x3e: {  	[tilespmem:$0x5810] =	vst v0;
	v0 =	vshrl.u32 v1, $0x10  }
0x3f: {  	[tilespmem:$0x5910] =	vst v0;
	v0 =	vand.u32 $0x7FF, v2  }
0x40: {  	[tilespmem:$0x5820] =	vst v0;
	v0 =	vshrl.u32 v2, $0x10  }
0x41: {  	[tilespmem:$0x5920] =	vst v0  }
0x42: {  	[tilespmem:s23], [sflag:$0x2] =	stream.indirect.gather [spmem:s1], $0x80, s22, s19, $0xb8;
	[tilespmem:$0x1D600] =	vst v63  }
0x43: {  	_ =	swait.ge [sflag:s24], $0x1800  }
0x44: {  	[sflag:s24] =	ssyncset.done $0x0  }
0x45: {  	s29 =	simm.s32 $0xB0;
	[sflag:s24] =	ssyncadd.s32 $0xFFFFE800  }
0x46: {  	v0 =	vld [tilespmem:s29+$0xFFFFFFB0];
	_ =	sdelay $0x4  }
0x47: {  	v1 =	vand.u32 $0x7FF, v0  }
0x48: {  	v0 =	vshrl.u32 v0, $0x10;
	[tilespmem:$0x5780] =	vst v1  }
0x49: {  	[tilespmem:$0x5880] =	vst v0  }
0x4a: {  	v0 =	vld [tilespmem:s29+$0xFFFFFFC0];
	_ =	sdelay $0x4  }
0x4b: {  	v1 =	vand.u32 $0x7FF, v0  }
0x4c: {  	v0 =	vshrl.u32 v0, $0x10;
	[tilespmem:$0x5790] =	vst v1  }
0x4d: {  	[tilespmem:$0x5890] =	vst v0  }
0x4e: {  	v0 =	vld [tilespmem:s29+$0xFFFFFFD0];
	_ =	sdelay $0x4  }
0x4f: {  	v1 =	vand.u32 $0x7FF, v0  }
0x50: {  	v0 =	vshrl.u32 v0, $0x10;
	[tilespmem:$0x57A0] =	vst v1  }
0x51: {  	[tilespmem:$0x58A0] =	vst v0  }
0x52: {  	[tilespmem:s21], [sflag:$0x1] =	stream.indirect.gather [spmem:s1], $0x80, s20, s19, $0xb8;
	[tilespmem:$0x1D600] =	vst v63  }
0x53: {  	_ =	swait.ge [sflag:s25], $0x1800  }
0x54: {  	[sflag:s25] =	ssyncset.done $0x0  }
0x55: {  	[sflag:s25] =	ssyncadd.s32 $0xFFFFE800  }
0x56: {  	v0 =	vld [tilespmem:s29+$0xFFFFFFE0];
	_ =	sdelay $0x4  }
0x57: {  	v1 =	vand.u32 $0x7FF, v0  }
0x58: {  	v0 =	vshrl.u32 v0, $0x10;
	[tilespmem:$0x5800] =	vst v1  }
0x59: {  	[tilespmem:$0x5900] =	vst v0  }
0x5a: {  	v0 =	vld [tilespmem:s29+$0xFFFFFFF0];
	_ =	sdelay $0x4  }
0x5b: {  	v1 =	vand.u32 $0x7FF, v0  }
0x5c: {  	v0 =	vshrl.u32 v0, $0x10;
	[tilespmem:$0x5810] =	vst v1  }
0x5d: {  	[tilespmem:$0x5910] =	vst v0  }
0x5e: {  	s28 =	simm.s32 $0x440;
	v0 =	vld [tilespmem:s29+$0x0]  }
.LBB2_2:
0x5f: {  	_ = 	snop  }
0x60: {  	p1 =	sne.s32 s28, $0x9D40;
	s29 =	smov.u32 s28;
	s28 =	sadd.s32 $0x180, s28  }
0x61: {  	_ =	sdelay $0x1  }
0x62: {  	v1 =	vand.u32 $0x7FF, v0;
	v0 =	vshrl.u32 v0, $0x10  }
0x63: {  	[tilespmem:$0x5820] =	vst v1  }
0x64: {  	[tilespmem:$0x5920] =	vst v0  }
0x65: {  	[tilespmem:s23], [sflag:$0x2] =	stream.indirect.gather [spmem:s1], $0x80, s22, s19, $0xb8;
	[tilespmem:$0x1D600] =	vst v63  }
0x66: {  	_ =	swait.ge [sflag:s24], $0x1800  }
0x67: {  	[sflag:s24] =	ssyncset.done $0x0  }
0x68: {  	s29 =	sshra.s32 s29, $0x2;
	[sflag:s24] =	ssyncadd.s32 $0xFFFFE800  }
0x69: {  	v0 =	vld [tilespmem:s29+$0xFFFFFFB0];
	_ =	sdelay $0x4  }
0x6a: {  	v1 =	vand.u32 $0x7FF, v0;
	v0 =	vshrl.u32 v0, $0x10  }
0x6b: {  	[tilespmem:$0x5780] =	vst v1  }
0x6c: {  	[tilespmem:$0x5880] =	vst v0  }
0x6d: {  	v0 =	vld [tilespmem:s29+$0xFFFFFFC0];
	_ =	sdelay $0x4  }
0x6e: {  	v1 =	vand.u32 $0x7FF, v0;
	v0 =	vshrl.u32 v0, $0x10  }
0x6f: {  	[tilespmem:$0x5790] =	vst v1  }
0x70: {  	[tilespmem:$0x5890] =	vst v0  }
0x71: {  	v0 =	vld [tilespmem:s29+$0xFFFFFFD0];
	_ =	sdelay $0x4  }
0x72: {  	v1 =	vand.u32 $0x7FF, v0;
	v0 =	vshrl.u32 v0, $0x10  }
0x73: {  	[tilespmem:$0x57A0] =	vst v1  }
0x74: {  	[tilespmem:$0x58A0] =	vst v0  }
0x75: {  	[tilespmem:s21], [sflag:$0x1] =	stream.indirect.gather [spmem:s1], $0x80, s20, s19, $0xb8;
	[tilespmem:$0x1D600] =	vst v63  }
0x76: {  	_ =	swait.ge [sflag:s25], $0x1800  }
0x77: {  	[sflag:s25] =	ssyncset.done $0x0  }
0x78: {  	[sflag:s25] =	ssyncadd.s32 $0xFFFFE800  }
0x79: {  	v0 =	vld [tilespmem:s29+$0xFFFFFFE0];
	_ =	sdelay $0x4  }
0x7a: {  	v1 =	vand.u32 $0x7FF, v0;
	v0 =	vshrl.u32 v0, $0x10  }
0x7b: {  	[tilespmem:$0x5800] =	vst v1  }
0x7c: {  	[tilespmem:$0x5900] =	vst v0  }
0x7d: {  	v0 =	vld [tilespmem:s29+$0xFFFFFFF0];
	_ =	sdelay $0x3  }
.Ltmp0:
0x7e: {  	(pc) =	sbr.rel @p1 .LBB2_2-.Ltmp0, $4  }
0x7f: {  	v1 =	vand.u32 $0x7FF, v0;
	v0 =	vshrl.u32 v0, $0x10  }
0x80: {  	[tilespmem:$0x5810] =	vst v1  }
0x81: {  	[tilespmem:$0x5910] =	vst v0  }
0x82: {  	v0 =	vld [tilespmem:s29+$0x0]  }
0x83: {  	_ =	sdelay $0x3  }
0x84: {  	v1 =	vand.u32 $0x7FF, v0  }
0x85: {  	v63 =	vshrl.u32 v0, $0x10;
	[tilespmem:$0x5820] =	vst v1  }
0x86: {  	[tilespmem:$0x5920] =	vst v63  }
0x87: {  	[tilespmem:s23], [sflag:$0x2] =	stream.indirect.gather [spmem:s1], $0x80, s22, s19, $0xb8;
	[tilespmem:$0x1D600] =	vst v63  }
0x88: {  	_ =	swait.ge [sflag:s24], $0x1800  }
0x89: {  	[sflag:s24] =	ssyncset.done $0x0  }
0x8a: {  	[sflag:s24] =	ssyncadd.s32 $0xFFFFE800  }
0x8b: {  	_ =	swait.ge [sflag:s25], $0x1800  }
0x8c: {  	[sflag:s25] =	ssyncset.done $0x0  }
0x8d: {  	[sflag:s25] =	ssyncadd.s32 $0xFFFFE800  }
0x8e: {  	s28 =	simm.s32 @p0 $0x3;
	[bflag:$0x0] =	sbarrier.arrive $0xFFFF  }
0x8f: {  	[hbm:s9], [sflag:s17] =	dma.local @p0 [spmem:s11], $0x2080  }
0x90: {  	s26 =	sadd.s32 $0x1, s26;
	_ =	swait.ge @p0 [sflag:s28], $0x2080  }
0x91: {  	p1 =	sne.s32 s26, s10;
	[sflag:s28] =	ssyncset.done @p0 $0x0  }
.Ltmp1:
0x92: {  	[sflag:s28] =	ssyncadd.s32 @p0 $0xFFFFDF80;
	s28 =	simm.s32 @!p0 $0x3;
	(pc) =	sbr.rel @p1 .LBB2_1-.Ltmp1, $4  }
0x93: {  	[hbm:s8], [sflag:s17] =	dma.local @!p0 [spmem:s13], $0x2780  }
0x94: {  	_ =	swait.ge @!p0 [sflag:s28], $0x2780  }
0x95: {  	[sflag:s28] =	ssyncset.done @!p0 $0x0  }
0x96: {  	[sflag:s28] =	ssyncadd.s32 @!p0 $0xFFFFD880  }
0x97: {  	_ =	sfence.sel $0x180000  }
0x98: {  	[bflag:$0x0] =	sbarrier.arrive $0xFFFF  }
0x99: {  	p0 =	sne.s32 s3, $0x0;
	_ =	strace $0x90000047  }
0x9a: {  	s0 =	sadd.s32 @!p0 $0x100000, s0;
	[bflag:$0x2] =	sbarrier.arrive $0xFFFF  }
0x9b: {  	[sflag:s0] =	ssyncadd.tile.s32 @!p0 $0x1;
	_ =	shalt  }
.Lfunc_end2:
_tile_overlayer_lowered:
.L_overlay_start_2:
0x9c: {  	(tag) =	ssettag $0x2  }
0x9d: {  	s0 =	rddreg [dreg:$0x0];
	s2 =	stileid.u32  }
0x9e: {  	s1 =	rddreg [dreg:$0x1];
	p0 =	sne.s32 s2, $0x0  }
0x9f: {  	s3 =	rddreg [dreg:$0x2];
	[bflag:$0x3] =	sbarrier.arrive $0xFFFF;
	s2 =	simm.s32 @!p0 $0x1C03  }
0xa0: {  	[timem:s3], [sflag:s2] =	dma.local @!p0 [hbm:s0], s1  }
0xa1: {  	s0 =	simm.s32 @!p0 $0x3  }
0xa2: {  	_ =	swait.ge @!p0 [sflag:s0], s1  }
0xa3: {  	s1 =	ssub.s32 @!p0 $0x0, s1;
	[sflag:s0] =	ssyncset.done @!p0 $0x0  }
0xa4: {  	[sflag:s0] =	ssyncadd.s32 @!p0 s1  }
0xa5: {  	[bflag:$0x3] =	sbarrier.arrive $0xFFFF  }
0xa6: {  	_ =	shalt  }

</sc_bundles>
